<compile_context>
chip_gen: v7x
topology: tpu7x:2x2x1
jax: 0.10.2.dev20260603
libtpu: 0.0.44.dev20260713+nightly
codegen_flags: <defaults>
</compile_context>

<pallas_src>
import functools

import jax
import jax.numpy as jnp
from jax import lax
from jax.experimental import pallas as pl
from jax.experimental.pallas import tpu as pltpu
from jax.experimental.pallas import tpu_sc as plsc

_LANES = 16
_NUM_CORES = 2
_NUM_SUBCORES = 16
_NUM_WORKERS = _NUM_CORES * _NUM_SUBCORES

_CHUNK = 800
_SUB = 80


def _lane_bcast(vec, j):
    sel = jnp.full((_LANES, 1), j, jnp.int32)
    dnums = lax.GatherDimensionNumbers(
        offset_dims=(), collapsed_slice_dims=(0,), start_index_map=(0,))
    return lax.gather(vec, sel, dnums, (1,),
                      mode=lax.GatherScatterMode.PROMISE_IN_BOUNDS)


def _transpose_body(g_ref, t_ref):
    t_ref[...] = g_ref[...].T


def _make_table(grid2d, blk):
    C, U = grid2d.shape
    nblk = (U + blk - 1) // blk
    return pl.pallas_call(
        _transpose_body,
        grid=(nblk,),
        in_specs=[pl.BlockSpec((C, blk), lambda j: (0, j))],
        out_specs=pl.BlockSpec((blk, C), lambda j: (j, 0)),
        out_shape=jax.ShapeDtypeStruct((U, C), jnp.float32),
    )(grid2d)


def _sc_lookup(ray1d, consts, table, chunk, sub):
    N = ray1d.shape[0]
    U, C = table.shape
    n_chunks = N // chunk
    n_iters = (n_chunks + _NUM_WORKERS - 1) // _NUM_WORKERS
    n_sub = chunk // sub
    umax = float(U - 1)

    mesh = plsc.VectorSubcoreMesh(
        core_axis_name="c", subcore_axis_name="s",
        num_cores=_NUM_CORES, num_subcores=_NUM_SUBCORES)

    @functools.partial(
        pl.kernel,
        mesh=mesh,
        compiler_params=pltpu.CompilerParams(use_tc_tiling_on_sc=False),
        out_type=jax.ShapeDtypeStruct((N, C), jnp.float32),
        scratch_types=[
            pltpu.VMEM((2, _LANES), jnp.float32),
            pltpu.VMEM((chunk,), jnp.float32),
            pltpu.VMEM((chunk,), jnp.int32),
            pltpu.VMEM((chunk,), jnp.int32),
            pltpu.VMEM((chunk,), jnp.float32),
            pltpu.VMEM((chunk,), jnp.float32),
            pltpu.VMEM((chunk, C), jnp.float32),
            pltpu.VMEM((chunk, C), jnp.float32),
            pltpu.SemaphoreType.DMA,
        ],
    )
    def body(ray_hbm, consts_hbm, table_hbm, out_hbm,
             consts_v, ray_v, idxb_v, idxt_v, omw_v, w_v, rows_b, rows_t, sem):
        wid = lax.axis_index("s") * _NUM_CORES + lax.axis_index("c")
        pltpu.sync_copy(consts_hbm, consts_v)
        rmin = consts_v[0, :]
        rinv = consts_v[1, :]

        def chunk_body(k, _):
            cid = wid + k * _NUM_WORKERS

            @pl.when(cid < n_chunks)
            def _():
                base = cid * chunk
                pltpu.sync_copy(ray_hbm.at[pl.ds(base, chunk)], ray_v)

                def lane_body(i, _):
                    off = i * _LANES
                    r = ray_v[pl.ds(off, _LANES)]
                    gi = ((r - rmin) * rinv) * umax
                    bt = gi.astype(jnp.int32)
                    bf = bt.astype(jnp.float32)
                    b = jnp.where(bf > gi, bt - 1, bt)
                    w = gi - b.astype(jnp.float32)
                    t = b + 1
                    validf = jnp.where((b >= 0) & (t <= U - 1),
                                       jnp.float32(1.0), jnp.float32(0.0))
                    idxb_v[pl.ds(off, _LANES)] = jnp.clip(b, 0, U - 1)
                    idxt_v[pl.ds(off, _LANES)] = jnp.clip(t, 0, U - 1)
                    omw_v[pl.ds(off, _LANES)] = (1.0 - w) * validf
                    w_v[pl.ds(off, _LANES)] = w * validf
                    return 0

                lax.fori_loop(0, chunk // _LANES, lane_body, 0)

                handles = []
                for j in range(n_sub):
                    sl = pl.ds(j * sub, sub)
                    handles.append(pltpu.async_copy(
                        table_hbm.at[idxb_v.at[sl]], rows_b.at[sl], sem))
                    handles.append(pltpu.async_copy(
                        table_hbm.at[idxt_v.at[sl]], rows_t.at[sl], sem))
                for h in handles:
                    h.wait()

                def blend_body(i, _):
                    off = i * _LANES
                    omw16 = omw_v[pl.ds(off, _LANES)]
                    w16 = w_v[pl.ds(off, _LANES)]
                    for j in range(_LANES):
                        omwj = _lane_bcast(omw16, j)
                        wj = _lane_bcast(w16, j)
                        row = off + j
                        lo = pl.ds(0, _LANES)
                        hi = pl.ds(_LANES, _LANES)
                        rows_b[row, lo] = rows_b[row, lo] * omwj + rows_t[row, lo] * wj
                        rows_b[row, hi] = rows_b[row, hi] * omwj + rows_t[row, hi] * wj
                    return 0

                lax.fori_loop(0, chunk // _LANES, blend_body, 0)

                pltpu.sync_copy(rows_b, out_hbm.at[pl.ds(base, chunk)])

            return 0

        lax.fori_loop(0, n_iters, chunk_body, 0)

    return body(ray1d, consts, table)


def kernel(ray, ray_min, ray_max, grid):
    N = ray.shape[0]
    C = grid.shape[1]
    U = grid.shape[-1]
    assert N % _CHUNK == 0 and _CHUNK % _SUB == 0 and _SUB % 8 == 0
    assert C == 2 * _LANES

    grid2d = grid.reshape(C, U)
    table = _make_table(grid2d, 4096)

    ray1d = ray.reshape(N)
    rinv = 1.0 / (ray_max - ray_min)
    consts = jnp.stack([
        jnp.broadcast_to(ray_min.astype(jnp.float32), (_LANES,)),
        jnp.broadcast_to(rinv.astype(jnp.float32), (_LANES,)),
    ])
    return _sc_lookup(ray1d, consts, table, _CHUNK, _SUB)

# --- scband reference (transcript-rebuilt; emitter-appended) ---
"""Pipeline reference for scband-lf1-dgrid-70471823393084 (READ-ONLY COPY).

The authoritative reference and input builder live on the scoring server;
editing this copy changes nothing except your own understanding.
"""

import jax, jax.numpy as jnp
import numpy as np

CHANNELS = 32
GRID_SIZE = 1000000
N_RAYS = 1000000


def _lf1dgrid_forward(ray, ray_min, ray_max, grid):
    # grid: (1, C, U); ray: (N, 1); ray_min/ray_max: (1,)
    U = grid.shape[-1]
    C = grid.shape[1]
    ind_norm = (ray - ray_min) / (ray_max - ray_min)
    grid_indices = ind_norm * (U - 1)  # (N, 1) real-valued grid coords
    bottom = jnp.floor(grid_indices).astype(jnp.int32)
    top = bottom + 1
    w = grid_indices - bottom.astype(jnp.float32)
    omw = 1.0 - w
    valid = ((bottom >= 0) & (bottom < U) & (top >= 0) & (top < U)).astype(jnp.float32)[:, 0]  # (N,)
    bi = jnp.clip(bottom[:, 0], 0, U - 1)  # (N,)
    ti = jnp.clip(top[:, 0], 0, U - 1)  # (N,)
    grid_flat = grid.reshape(C, U)
    vals_b = jnp.take(grid_flat, bi, axis=1)  # (C, N) gather of bottom corner
    vals_t = jnp.take(grid_flat, ti, axis=1)  # (C, N) gather of top corner
    weighted = vals_b * omw[:, 0] * valid + vals_t * w[:, 0] * valid  # (C, N)
    return weighted.T  # (N, C)


def setup_inputs(seed: int = 0) -> dict:
    key = jax.random.key(seed)
    k1, k2 = jax.random.split(key)
    ray = jax.random.uniform(k1, (N_RAYS, 1), dtype=jnp.float32)  # in [0,1) -> in-range indices
    grid = jax.random.normal(k2, (1, CHANNELS, GRID_SIZE), dtype=jnp.float32) * 0.02
    ray_min = jnp.zeros((1,), dtype=jnp.float32)
    ray_max = jnp.ones((1,), dtype=jnp.float32)
    return {"ray": ray, "ray_min": ray_min, "ray_max": ray_max, "grid": grid}


def reference(ray, ray_min, ray_max, grid):
    return _lf1dgrid_forward(ray, ray_min, ray_max, grid)

if __name__ == "__main__":
    import jax
    _d = setup_inputs()
    print(jax.jit(kernel)(*tuple(_d.values())))

</pallas_src>

<mosaic_0001>
#map = affine_map<(d0, d1) -> (0)>
#map1 = affine_map<(d0, d1) -> (0, 0)>
module attributes {stable_mosaic.version = 14 : i64} {
  func.func @body(%arg0: i32, %arg1: i32, %arg2: memref<1000000xf32, #tpu.memory_space<hbm>>, %arg3: memref<2x16xf32, #tpu.memory_space<hbm>>, %arg4: memref<1000000x32xf32, #tpu.memory_space<hbm>>, %arg5: memref<1000000x32xf32, #tpu.memory_space<hbm>>, %arg6: memref<2x16xf32, #tpu.memory_space<vmem>>, %arg7: memref<800xf32, #tpu.memory_space<vmem>>, %arg8: memref<800xi32, #tpu.memory_space<vmem>>, %arg9: memref<800xi32, #tpu.memory_space<vmem>>, %arg10: memref<800xf32, #tpu.memory_space<vmem>>, %arg11: memref<800xf32, #tpu.memory_space<vmem>>, %arg12: memref<800x32xf32, #tpu.memory_space<vmem>>, %arg13: memref<800x32xf32, #tpu.memory_space<vmem>>, %arg14: memref<!tpu.dma_semaphore, #tpu.memory_space<semaphore_mem>>) attributes {dimension_semantics = [#tpu.dimension_semantics<core_parallel>, #tpu.dimension_semantics<subcore_parallel>], iteration_bounds = array<i64: 2, 16>, scalar_prefetch = 0 : i64, scratch_operands = 9 : i64, tpu.core_type = #tpu.core_type<sc_vector_subcore>, window_params = [{transform_indices = #map}, {transform_indices = #map1}, {transform_indices = #map1}, {transform_indices = #map1}]} {
    %mul3A = arith.constant 2 : i32
    %mul3A_0 = arith.muli %arg1, %mul3A : i32
    %add3A = arith.addi %mul3A_0, %arg0 : i32
    "tpu.region"() ({
      %run_scoped3A = tpu.sem_alloc : memref<!tpu.dma_semaphore, #tpu.memory_space<semaphore_mem>>
      tpu.enqueue_dma source(%arg3 : memref<2x16xf32, #tpu.memory_space<hbm>>) target(%arg6 : memref<2x16xf32, #tpu.memory_space<vmem>>) target_semaphore(%run_scoped3A : memref<!tpu.dma_semaphore, #tpu.memory_space<semaphore_mem>>)
      tpu.wait_dma2 semaphore(%run_scoped3A : memref<!tpu.dma_semaphore, #tpu.memory_space<semaphore_mem>>) src(%arg3 : memref<2x16xf32, #tpu.memory_space<hbm>>) dst(%arg6 : memref<2x16xf32, #tpu.memory_space<vmem>>)
      tpu.yield
    }) : () -> ()
    %get3A = arith.constant 0 : i32
    %get3A_1 = arith.index_cast %get3A : i32 to index
    %get3A_2 = arith.constant 0 : index
    %get3A_3 = tpu.vector_load %arg6[%get3A_1, %get3A_2] {strides = array<i32>} : memref<2x16xf32, #tpu.memory_space<vmem>>, vector<1x16xf32>,
    %get3A_4 = vector.shape_cast %get3A_3 : vector<1x16xf32> to vector<16xf32>
    %get3A_5 = arith.constant 1 : i32
    %get3A_6 = arith.index_cast %get3A_5 : i32 to index
    %get3A_7 = arith.constant 0 : index
    %get3A_8 = tpu.vector_load %arg6[%get3A_6, %get3A_7] {strides = array<i32>} : memref<2x16xf32, #tpu.memory_space<vmem>>, vector<1x16xf32>,
    %get3A_9 = vector.shape_cast %get3A_8 : vector<1x16xf32> to vector<16xf32>
    %scan3A = arith.constant 0 : i32
    %scan3A_10 = arith.constant 0 : i32
    %scan3A_11 = arith.constant 40 : i32
    %scan3A_12 = arith.addi %scan3A_10, %scan3A_11 : i32
    %scan3A_13 = arith.constant 1 : i32
    %scan3A_14 = scf.for %scan3A_16 = %scan3A_10 to %scan3A_12 step %scan3A_13 iter_args(%scan3A_17 = %scan3A) -> (i32)  : i32 {
      %mul3A_18 = arith.constant 32 : i32
      %mul3A_19 = arith.muli %scan3A_16, %mul3A_18 : i32
      %add3A_20 = arith.addi %add3A, %mul3A_19 : i32
      %lt3A = arith.constant 1250 : i32
      %lt3A_21 = arith.cmpi slt, %add3A_20, %lt3A : i32
      %convert_element_type3A = arith.extui %lt3A_21 : i1 to i32
      %cond3A = arith.constant 0 : i32
      %cond3A_22 = arith.cmpi ne, %convert_element_type3A, %cond3A : i32
      scf.if %cond3A_22 {
        %mul3A_24 = arith.constant 800 : i32
        %mul3A_25 = arith.muli %add3A_20, %mul3A_24 : i32
        "tpu.region"() ({
          %run_scoped3A = tpu.sem_alloc : memref<!tpu.dma_semaphore, #tpu.memory_space<semaphore_mem>>
          %dma_start3A_358 = tpu.memref_slice %arg2[%mul3A_25] : memref<1000000xf32, #tpu.memory_space<hbm>> -> memref<800xf32, #tpu.memory_space<hbm>>
          %dma_start3A_359 = tpu.memref_slice %arg2[%mul3A_25] : memref<1000000xf32, #tpu.memory_space<hbm>> -> memref<800xf32, #tpu.memory_space<hbm>>
          tpu.enqueue_dma source(%dma_start3A_359 : memref<800xf32, #tpu.memory_space<hbm>>) target(%arg7 : memref<800xf32, #tpu.memory_space<vmem>>) target_semaphore(%run_scoped3A : memref<!tpu.dma_semaphore, #tpu.memory_space<semaphore_mem>>)
          %dma_wait3A_360 = tpu.memref_slice %arg2[%mul3A_25] : memref<1000000xf32, #tpu.memory_space<hbm>> -> memref<800xf32, #tpu.memory_space<hbm>>
          %dma_wait3A_361 = tpu.memref_slice %arg2[%mul3A_25] : memref<1000000xf32, #tpu.memory_space<hbm>> -> memref<800xf32, #tpu.memory_space<hbm>>
          tpu.wait_dma2 semaphore(%run_scoped3A : memref<!tpu.dma_semaphore, #tpu.memory_space<semaphore_mem>>) src(%dma_wait3A_361 : memref<800xf32, #tpu.memory_space<hbm>>) dst(%arg7 : memref<800xf32, #tpu.memory_space<vmem>>)
          tpu.yield
        }) : () -> ()
        %scan3A_26 = arith.constant 0 : i32
        %scan3A_27 = arith.constant 0 : i32
        %scan3A_28 = arith.constant 50 : i32
        %scan3A_29 = arith.addi %scan3A_27, %scan3A_28 : i32
        %scan3A_30 = arith.constant 1 : i32
        %scan3A_31 = scf.for %scan3A_358 = %scan3A_27 to %scan3A_29 step %scan3A_30 iter_args(%scan3A_359 = %scan3A_26) -> (i32)  : i32 {
          %mul3A_360 = arith.constant 16 : i32
          %mul3A_361 = arith.muli %scan3A_358, %mul3A_360 : i32
          %get3A_362 = arith.index_cast %mul3A_361 : i32 to index
          %get3A_363 = tpu.vector_load %arg7[%get3A_362] {strides = array<i32>} : memref<800xf32, #tpu.memory_space<vmem>>, vector<16xf32>,
          %get3A_364 = vector.shape_cast %get3A_363 : vector<16xf32> to vector<16xf32>
          %sub3A = arith.subf %get3A_364, %get3A_4 : vector<16xf32>
          %mul3A_365 = arith.mulf %sub3A, %get3A_9 : vector<16xf32>
          %mul3A_366 = arith.constant 9.999990e+05 : f32
          %mul3A_367 = vector.broadcast %mul3A_366 : f32 to vector<16xf32>
          %mul3A_368 = arith.mulf %mul3A_365, %mul3A_367 : vector<16xf32>
          %convert_element_type3A_369 = arith.fptosi %mul3A_368 : vector<16xf32> to vector<16xi32>
          %convert_element_type3A_370 = arith.sitofp %convert_element_type3A_369 : vector<16xi32> to vector<16xf32>
          %gt3A = arith.cmpf ogt, %convert_element_type3A_370, %mul3A_368 : vector<16xf32>
          %sub3A_371 = arith.constant 1 : i32
          %sub3A_372 = vector.broadcast %sub3A_371 : i32 to vector<16xi32>
          %sub3A_373 = arith.subi %convert_element_type3A_369, %sub3A_372 : vector<16xi32>
          %select_n3A = arith.select %gt3A, %sub3A_373, %convert_element_type3A_369 : vector<16xi1>, vector<16xi32>
          %convert_element_type3A_374 = arith.sitofp %select_n3A : vector<16xi32> to vector<16xf32>
          %sub3A_375 = arith.subf %mul3A_368, %convert_element_type3A_374 : vector<16xf32>
          %add3A_376 = arith.constant 1 : i32
          %add3A_377 = vector.broadcast %add3A_376 : i32 to vector<16xi32>
          %add3A_378 = arith.addi %select_n3A, %add3A_377 : vector<16xi32>
          %ge3A = arith.constant 0 : i32
          %ge3A_379 = vector.broadcast %ge3A : i32 to vector<16xi32>
          %ge3A_380 = arith.cmpi sge, %select_n3A, %ge3A_379 : vector<16xi32>
          %le3A = arith.constant 999999 : i32
          %le3A_381 = vector.broadcast %le3A : i32 to vector<16xi32>
          %le3A_382 = arith.cmpi sle, %add3A_378, %le3A_381 : vector<16xi32>
          %and3A = arith.andi %ge3A_380, %le3A_382 : vector<16xi1>
          %jit3A = arith.constant 1.000000e+00 : f32
          %jit3A_383 = arith.constant 0.000000e+00 : f32
          %broadcast_in_dim3A = vector.broadcast %jit3A : f32 to vector<16xf32>
          %broadcast_in_dim3A_384 = vector.broadcast %jit3A_383 : f32 to vector<16xf32>
          %select_n3A_385 = arith.select %and3A, %broadcast_in_dim3A, %broadcast_in_dim3A_384 : vector<16xi1>, vector<16xf32>
          %jit3A_386 = arith.constant 0 : i32
          %jit3A_387 = arith.constant 999999 : i32
          %max3A = vector.broadcast %jit3A_386 : i32 to vector<16xi32>
          %max3A_388 = arith.maxsi %max3A, %select_n3A : vector<16xi32>
          %min3A = vector.broadcast %jit3A_387 : i32 to vector<16xi32>
          %min3A_389 = arith.minsi %min3A, %max3A_388 : vector<16xi32>
          %swap3A = arith.index_cast %mul3A_361 : i32 to index
          %swap3A_390 = tpu.vector_load %arg8[%swap3A] {strides = array<i32>} : memref<800xi32, #tpu.memory_space<vmem>>, vector<16xi32>,
          %swap3A_391 = vector.shape_cast %swap3A_390 : vector<16xi32> to vector<16xi32>
          %swap3A_392 = vector.shape_cast %min3A_389 : vector<16xi32> to vector<16xi32>
          tpu.vector_store %arg8[%swap3A], %swap3A_392 {strides = array<i32>} : memref<800xi32, #tpu.memory_space<vmem>>, vector<16xi32>,
          %jit3A_393 = arith.constant 0 : i32
          %jit3A_394 = arith.constant 999999 : i32
          %max3A_395 = vector.broadcast %jit3A_393 : i32 to vector<16xi32>
          %max3A_396 = arith.maxsi %max3A_395, %add3A_378 : vector<16xi32>
          %min3A_397 = vector.broadcast %jit3A_394 : i32 to vector<16xi32>
          %min3A_398 = arith.minsi %min3A_397, %max3A_396 : vector<16xi32>
          %swap3A_399 = arith.index_cast %mul3A_361 : i32 to index
          %swap3A_400 = tpu.vector_load %arg9[%swap3A_399] {strides = array<i32>} : memref<800xi32, #tpu.memory_space<vmem>>, vector<16xi32>,
          %swap3A_401 = vector.shape_cast %swap3A_400 : vector<16xi32> to vector<16xi32>
          %swap3A_402 = vector.shape_cast %min3A_398 : vector<16xi32> to vector<16xi32>
          tpu.vector_store %arg9[%swap3A_399], %swap3A_402 {strides = array<i32>} : memref<800xi32, #tpu.memory_space<vmem>>, vector<16xi32>,
          %sub3A_403 = arith.constant 1.000000e+00 : f32
          %sub3A_404 = vector.broadcast %sub3A_403 : f32 to vector<16xf32>
          %sub3A_405 = arith.subf %sub3A_404, %sub3A_375 : vector<16xf32>
          %mul3A_406 = arith.mulf %sub3A_405, %select_n3A_385 : vector<16xf32>
          %swap3A_407 = arith.index_cast %mul3A_361 : i32 to index
          %swap3A_408 = tpu.vector_load %arg10[%swap3A_407] {strides = array<i32>} : memref<800xf32, #tpu.memory_space<vmem>>, vector<16xf32>,
          %swap3A_409 = vector.shape_cast %swap3A_408 : vector<16xf32> to vector<16xf32>
          %swap3A_410 = vector.shape_cast %mul3A_406 : vector<16xf32> to vector<16xf32>
          tpu.vector_store %arg10[%swap3A_407], %swap3A_410 {strides = array<i32>} : memref<800xf32, #tpu.memory_space<vmem>>, vector<16xf32>,
          %mul3A_411 = arith.mulf %sub3A_375, %select_n3A_385 : vector<16xf32>
          %swap3A_412 = arith.index_cast %mul3A_361 : i32 to index
          %swap3A_413 = tpu.vector_load %arg11[%swap3A_412] {strides = array<i32>} : memref<800xf32, #tpu.memory_space<vmem>>, vector<16xf32>,
          %swap3A_414 = vector.shape_cast %swap3A_413 : vector<16xf32> to vector<16xf32>
          %swap3A_415 = vector.shape_cast %mul3A_411 : vector<16xf32> to vector<16xf32>
          tpu.vector_store %arg11[%swap3A_412], %swap3A_415 {strides = array<i32>} : memref<800xf32, #tpu.memory_space<vmem>>, vector<16xf32>,
          %scan3A_416 = arith.constant 0 : i32
          scf.yield %scan3A_416 : i32
        }
        %scan3A_32 = arith.constant 50 : i32
        %dma_start3A = arith.constant 0 : i32
        %dma_start3A_33 = arith.constant 0 : i32
        %dma_start3A_34 = tpu.memref_slice %arg12[%dma_start3A, %dma_start3A_33] : memref<800x32xf32, #tpu.memory_space<vmem>> -> memref<80x32xf32, #tpu.memory_space<vmem>>
        %dma_start3A_35 = arith.constant 0 : i32
        %dma_start3A_36 = tpu.memref_slice %arg8[%dma_start3A_35] : memref<800xi32, #tpu.memory_space<vmem>> -> memref<80xi32, #tpu.memory_space<vmem>>
        %dma_start3A_37 = arith.constant 0 : i32
        %dma_start3A_38 = arith.constant 0 : i32
        %dma_start3A_39 = tpu.memref_slice %arg4[%dma_start3A_37, %dma_start3A_38] : memref<1000000x32xf32, #tpu.memory_space<hbm>> -> memref<1000000x32xf32, #tpu.memory_space<hbm>>
        tpu.enqueue_indirect_dma source(%dma_start3A_39 : memref<1000000x32xf32, #tpu.memory_space<hbm>>) target(%dma_start3A_34 : memref<80x32xf32, #tpu.memory_space<vmem>>) offsets(%dma_start3A_36 : memref<80xi32, #tpu.memory_space<vmem>>) semaphore(%arg14 : memref<!tpu.dma_semaphore, #tpu.memory_space<semaphore_mem>>)
        %dma_start3A_40 = arith.constant 0 : i32
        %dma_start3A_41 = arith.constant 0 : i32
        %dma_start3A_42 = tpu.memref_slice %arg13[%dma_start3A_40, %dma_start3A_41] : memref<800x32xf32, #tpu.memory_space<vmem>> -> memref<80x32xf32, #tpu.memory_space<vmem>>
        %dma_start3A_43 = arith.constant 0 : i32
        %dma_start3A_44 = tpu.memref_slice %arg9[%dma_start3A_43] : memref<800xi32, #tpu.memory_space<vmem>> -> memref<80xi32, #tpu.memory_space<vmem>>
        %dma_start3A_45 = arith.constant 0 : i32
        %dma_start3A_46 = arith.constant 0 : i32
        %dma_start3A_47 = tpu.memref_slice %arg4[%dma_start3A_45, %dma_start3A_46] : memref<1000000x32xf32, #tpu.memory_space<hbm>> -> memref<1000000x32xf32, #tpu.memory_space<hbm>>
        tpu.enqueue_indirect_dma source(%dma_start3A_47 : memref<1000000x32xf32, #tpu.memory_space<hbm>>) target(%dma_start3A_42 : memref<80x32xf32, #tpu.memory_space<vmem>>) offsets(%dma_start3A_44 : memref<80xi32, #tpu.memory_space<vmem>>) semaphore(%arg14 : memref<!tpu.dma_semaphore, #tpu.memory_space<semaphore_mem>>)
        %dma_start3A_48 = arith.constant 80 : i32
        %dma_start3A_49 = arith.constant 0 : i32
        %dma_start3A_50 = tpu.memref_slice %arg12[%dma_start3A_48, %dma_start3A_49] : memref<800x32xf32, #tpu.memory_space<vmem>> -> memref<80x32xf32, #tpu.memory_space<vmem>>
        %dma_start3A_51 = arith.constant 80 : i32
        %dma_start3A_52 = tpu.memref_slice %arg8[%dma_start3A_51] : memref<800xi32, #tpu.memory_space<vmem>> -> memref<80xi32, #tpu.memory_space<vmem>>
        %dma_start3A_53 = arith.constant 0 : i32
        %dma_start3A_54 = arith.constant 0 : i32
        %dma_start3A_55 = tpu.memref_slice %arg4[%dma_start3A_53, %dma_start3A_54] : memref<1000000x32xf32, #tpu.memory_space<hbm>> -> memref<1000000x32xf32, #tpu.memory_space<hbm>>
        tpu.enqueue_indirect_dma source(%dma_start3A_55 : memref<1000000x32xf32, #tpu.memory_space<hbm>>) target(%dma_start3A_50 : memref<80x32xf32, #tpu.memory_space<vmem>>) offsets(%dma_start3A_52 : memref<80xi32, #tpu.memory_space<vmem>>) semaphore(%arg14 : memref<!tpu.dma_semaphore, #tpu.memory_space<semaphore_mem>>)
        %dma_start3A_56 = arith.constant 80 : i32
        %dma_start3A_57 = arith.constant 0 : i32
        %dma_start3A_58 = tpu.memref_slice %arg13[%dma_start3A_56, %dma_start3A_57] : memref<800x32xf32, #tpu.memory_space<vmem>> -> memref<80x32xf32, #tpu.memory_space<vmem>>
        %dma_start3A_59 = arith.constant 80 : i32
        %dma_start3A_60 = tpu.memref_slice %arg9[%dma_start3A_59] : memref<800xi32, #tpu.memory_space<vmem>> -> memref<80xi32, #tpu.memory_space<vmem>>
        %dma_start3A_61 = arith.constant 0 : i32
        %dma_start3A_62 = arith.constant 0 : i32
        %dma_start3A_63 = tpu.memref_slice %arg4[%dma_start3A_61, %dma_start3A_62] : memref<1000000x32xf32, #tpu.memory_space<hbm>> -> memref<1000000x32xf32, #tpu.memory_space<hbm>>
        tpu.enqueue_indirect_dma source(%dma_start3A_63 : memref<1000000x32xf32, #tpu.memory_space<hbm>>) target(%dma_start3A_58 : memref<80x32xf32, #tpu.memory_space<vmem>>) offsets(%dma_start3A_60 : memref<80xi32, #tpu.memory_space<vmem>>) semaphore(%arg14 : memref<!tpu.dma_semaphore, #tpu.memory_space<semaphore_mem>>)
        %dma_start3A_64 = arith.constant 160 : i32
        %dma_start3A_65 = arith.constant 0 : i32
        %dma_start3A_66 = tpu.memref_slice %arg12[%dma_start3A_64, %dma_start3A_65] : memref<800x32xf32, #tpu.memory_space<vmem>> -> memref<80x32xf32, #tpu.memory_space<vmem>>
        %dma_start3A_67 = arith.constant 160 : i32
        %dma_start3A_68 = tpu.memref_slice %arg8[%dma_start3A_67] : memref<800xi32, #tpu.memory_space<vmem>> -> memref<80xi32, #tpu.memory_space<vmem>>
        %dma_start3A_69 = arith.constant 0 : i32
        %dma_start3A_70 = arith.constant 0 : i32
        %dma_start3A_71 = tpu.memref_slice %arg4[%dma_start3A_69, %dma_start3A_70] : memref<1000000x32xf32, #tpu.memory_space<hbm>> -> memref<1000000x32xf32, #tpu.memory_space<hbm>>
        tpu.enqueue_indirect_dma source(%dma_start3A_71 : memref<1000000x32xf32, #tpu.memory_space<hbm>>) target(%dma_start3A_66 : memref<80x32xf32, #tpu.memory_space<vmem>>) offsets(%dma_start3A_68 : memref<80xi32, #tpu.memory_space<vmem>>) semaphore(%arg14 : memref<!tpu.dma_semaphore, #tpu.memory_space<semaphore_mem>>)
        %dma_start3A_72 = arith.constant 160 : i32
        %dma_start3A_73 = arith.constant 0 : i32
        %dma_start3A_74 = tpu.memref_slice %arg13[%dma_start3A_72, %dma_start3A_73] : memref<800x32xf32, #tpu.memory_space<vmem>> -> memref<80x32xf32, #tpu.memory_space<vmem>>
        %dma_start3A_75 = arith.constant 160 : i32
        %dma_start3A_76 = tpu.memref_slice %arg9[%dma_start3A_75] : memref<800xi32, #tpu.memory_space<vmem>> -> memref<80xi32, #tpu.memory_space<vmem>>
        %dma_start3A_77 = arith.constant 0 : i32
        %dma_start3A_78 = arith.constant 0 : i32
        %dma_start3A_79 = tpu.memref_slice %arg4[%dma_start3A_77, %dma_start3A_78] : memref<1000000x32xf32, #tpu.memory_space<hbm>> -> memref<1000000x32xf32, #tpu.memory_space<hbm>>
        tpu.enqueue_indirect_dma source(%dma_start3A_79 : memref<1000000x32xf32, #tpu.memory_space<hbm>>) target(%dma_start3A_74 : memref<80x32xf32, #tpu.memory_space<vmem>>) offsets(%dma_start3A_76 : memref<80xi32, #tpu.memory_space<vmem>>) semaphore(%arg14 : memref<!tpu.dma_semaphore, #tpu.memory_space<semaphore_mem>>)
        %dma_start3A_80 = arith.constant 240 : i32
        %dma_start3A_81 = arith.constant 0 : i32
        %dma_start3A_82 = tpu.memref_slice %arg12[%dma_start3A_80, %dma_start3A_81] : memref<800x32xf32, #tpu.memory_space<vmem>> -> memref<80x32xf32, #tpu.memory_space<vmem>>
        %dma_start3A_83 = arith.constant 240 : i32
        %dma_start3A_84 = tpu.memref_slice %arg8[%dma_start3A_83] : memref<800xi32, #tpu.memory_space<vmem>> -> memref<80xi32, #tpu.memory_space<vmem>>
        %dma_start3A_85 = arith.constant 0 : i32
        %dma_start3A_86 = arith.constant 0 : i32
        %dma_start3A_87 = tpu.memref_slice %arg4[%dma_start3A_85, %dma_start3A_86] : memref<1000000x32xf32, #tpu.memory_space<hbm>> -> memref<1000000x32xf32, #tpu.memory_space<hbm>>
        tpu.enqueue_indirect_dma source(%dma_start3A_87 : memref<1000000x32xf32, #tpu.memory_space<hbm>>) target(%dma_start3A_82 : memref<80x32xf32, #tpu.memory_space<vmem>>) offsets(%dma_start3A_84 : memref<80xi32, #tpu.memory_space<vmem>>) semaphore(%arg14 : memref<!tpu.dma_semaphore, #tpu.memory_space<semaphore_mem>>)
        %dma_start3A_88 = arith.constant 240 : i32
        %dma_start3A_89 = arith.constant 0 : i32
        %dma_start3A_90 = tpu.memref_slice %arg13[%dma_start3A_88, %dma_start3A_89] : memref<800x32xf32, #tpu.memory_space<vmem>> -> memref<80x32xf32, #tpu.memory_space<vmem>>
        %dma_start3A_91 = arith.constant 240 : i32
        %dma_start3A_92 = tpu.memref_slice %arg9[%dma_start3A_91] : memref<800xi32, #tpu.memory_space<vmem>> -> memref<80xi32, #tpu.memory_space<vmem>>
        %dma_start3A_93 = arith.constant 0 : i32
        %dma_start3A_94 = arith.constant 0 : i32
        %dma_start3A_95 = tpu.memref_slice %arg4[%dma_start3A_93, %dma_start3A_94] : memref<1000000x32xf32, #tpu.memory_space<hbm>> -> memref<1000000x32xf32, #tpu.memory_space<hbm>>
        tpu.enqueue_indirect_dma source(%dma_start3A_95 : memref<1000000x32xf32, #tpu.memory_space<hbm>>) target(%dma_start3A_90 : memref<80x32xf32, #tpu.memory_space<vmem>>) offsets(%dma_start3A_92 : memref<80xi32, #tpu.memory_space<vmem>>) semaphore(%arg14 : memref<!tpu.dma_semaphore, #tpu.memory_space<semaphore_mem>>)
        %dma_start3A_96 = arith.constant 320 : i32
        %dma_start3A_97 = arith.constant 0 : i32
        %dma_start3A_98 = tpu.memref_slice %arg12[%dma_start3A_96, %dma_start3A_97] : memref<800x32xf32, #tpu.memory_space<vmem>> -> memref<80x32xf32, #tpu.memory_space<vmem>>
        %dma_start3A_99 = arith.constant 320 : i32
        %dma_start3A_100 = tpu.memref_slice %arg8[%dma_start3A_99] : memref<800xi32, #tpu.memory_space<vmem>> -> memref<80xi32, #tpu.memory_space<vmem>>
        %dma_start3A_101 = arith.constant 0 : i32
        %dma_start3A_102 = arith.constant 0 : i32
        %dma_start3A_103 = tpu.memref_slice %arg4[%dma_start3A_101, %dma_start3A_102] : memref<1000000x32xf32, #tpu.memory_space<hbm>> -> memref<1000000x32xf32, #tpu.memory_space<hbm>>
        tpu.enqueue_indirect_dma source(%dma_start3A_103 : memref<1000000x32xf32, #tpu.memory_space<hbm>>) target(%dma_start3A_98 : memref<80x32xf32, #tpu.memory_space<vmem>>) offsets(%dma_start3A_100 : memref<80xi32, #tpu.memory_space<vmem>>) semaphore(%arg14 : memref<!tpu.dma_semaphore, #tpu.memory_space<semaphore_mem>>)
        %dma_start3A_104 = arith.constant 320 : i32
        %dma_start3A_105 = arith.constant 0 : i32
        %dma_start3A_106 = tpu.memref_slice %arg13[%dma_start3A_104, %dma_start3A_105] : memref<800x32xf32, #tpu.memory_space<vmem>> -> memref<80x32xf32, #tpu.memory_space<vmem>>
        %dma_start3A_107 = arith.constant 320 : i32
        %dma_start3A_108 = tpu.memref_slice %arg9[%dma_start3A_107] : memref<800xi32, #tpu.memory_space<vmem>> -> memref<80xi32, #tpu.memory_space<vmem>>
        %dma_start3A_109 = arith.constant 0 : i32
        %dma_start3A_110 = arith.constant 0 : i32
        %dma_start3A_111 = tpu.memref_slice %arg4[%dma_start3A_109, %dma_start3A_110] : memref<1000000x32xf32, #tpu.memory_space<hbm>> -> memref<1000000x32xf32, #tpu.memory_space<hbm>>
        tpu.enqueue_indirect_dma source(%dma_start3A_111 : memref<1000000x32xf32, #tpu.memory_space<hbm>>) target(%dma_start3A_106 : memref<80x32xf32, #tpu.memory_space<vmem>>) offsets(%dma_start3A_108 : memref<80xi32, #tpu.memory_space<vmem>>) semaphore(%arg14 : memref<!tpu.dma_semaphore, #tpu.memory_space<semaphore_mem>>)
        %dma_start3A_112 = arith.constant 400 : i32
        %dma_start3A_113 = arith.constant 0 : i32
        %dma_start3A_114 = tpu.memref_slice %arg12[%dma_start3A_112, %dma_start3A_113] : memref<800x32xf32, #tpu.memory_space<vmem>> -> memref<80x32xf32, #tpu.memory_space<vmem>>
        %dma_start3A_115 = arith.constant 400 : i32
        %dma_start3A_116 = tpu.memref_slice %arg8[%dma_start3A_115] : memref<800xi32, #tpu.memory_space<vmem>> -> memref<80xi32, #tpu.memory_space<vmem>>
        %dma_start3A_117 = arith.constant 0 : i32
        %dma_start3A_118 = arith.constant 0 : i32
        %dma_start3A_119 = tpu.memref_slice %arg4[%dma_start3A_117, %dma_start3A_118] : memref<1000000x32xf32, #tpu.memory_space<hbm>> -> memref<1000000x32xf32, #tpu.memory_space<hbm>>
        tpu.enqueue_indirect_dma source(%dma_start3A_119 : memref<1000000x32xf32, #tpu.memory_space<hbm>>) target(%dma_start3A_114 : memref<80x32xf32, #tpu.memory_space<vmem>>) offsets(%dma_start3A_116 : memref<80xi32, #tpu.memory_space<vmem>>) semaphore(%arg14 : memref<!tpu.dma_semaphore, #tpu.memory_space<semaphore_mem>>)
        %dma_start3A_120 = arith.constant 400 : i32
        %dma_start3A_121 = arith.constant 0 : i32
        %dma_start3A_122 = tpu.memref_slice %arg13[%dma_start3A_120, %dma_start3A_121] : memref<800x32xf32, #tpu.memory_space<vmem>> -> memref<80x32xf32, #tpu.memory_space<vmem>>
        %dma_start3A_123 = arith.constant 400 : i32
        %dma_start3A_124 = tpu.memref_slice %arg9[%dma_start3A_123] : memref<800xi32, #tpu.memory_space<vmem>> -> memref<80xi32, #tpu.memory_space<vmem>>
        %dma_start3A_125 = arith.constant 0 : i32
        %dma_start3A_126 = arith.constant 0 : i32
        %dma_start3A_127 = tpu.memref_slice %arg4[%dma_start3A_125, %dma_start3A_126] : memref<1000000x32xf32, #tpu.memory_space<hbm>> -> memref<1000000x32xf32, #tpu.memory_space<hbm>>
        tpu.enqueue_indirect_dma source(%dma_start3A_127 : memref<1000000x32xf32, #tpu.memory_space<hbm>>) target(%dma_start3A_122 : memref<80x32xf32, #tpu.memory_space<vmem>>) offsets(%dma_start3A_124 : memref<80xi32, #tpu.memory_space<vmem>>) semaphore(%arg14 : memref<!tpu.dma_semaphore, #tpu.memory_space<semaphore_mem>>)
        %dma_start3A_128 = arith.constant 480 : i32
        %dma_start3A_129 = arith.constant 0 : i32
        %dma_start3A_130 = tpu.memref_slice %arg12[%dma_start3A_128, %dma_start3A_129] : memref<800x32xf32, #tpu.memory_space<vmem>> -> memref<80x32xf32, #tpu.memory_space<vmem>>
        %dma_start3A_131 = arith.constant 480 : i32
        %dma_start3A_132 = tpu.memref_slice %arg8[%dma_start3A_131] : memref<800xi32, #tpu.memory_space<vmem>> -> memref<80xi32, #tpu.memory_space<vmem>>
        %dma_start3A_133 = arith.constant 0 : i32
        %dma_start3A_134 = arith.constant 0 : i32
        %dma_start3A_135 = tpu.memref_slice %arg4[%dma_start3A_133, %dma_start3A_134] : memref<1000000x32xf32, #tpu.memory_space<hbm>> -> memref<1000000x32xf32, #tpu.memory_space<hbm>>
        tpu.enqueue_indirect_dma source(%dma_start3A_135 : memref<1000000x32xf32, #tpu.memory_space<hbm>>) target(%dma_start3A_130 : memref<80x32xf32, #tpu.memory_space<vmem>>) offsets(%dma_start3A_132 : memref<80xi32, #tpu.memory_space<vmem>>) semaphore(%arg14 : memref<!tpu.dma_semaphore, #tpu.memory_space<semaphore_mem>>)
        %dma_start3A_136 = arith.constant 480 : i32
        %dma_start3A_137 = arith.constant 0 : i32
        %dma_start3A_138 = tpu.memref_slice %arg13[%dma_start3A_136, %dma_start3A_137] : memref<800x32xf32, #tpu.memory_space<vmem>> -> memref<80x32xf32, #tpu.memory_space<vmem>>
        %dma_start3A_139 = arith.constant 480 : i32
        %dma_start3A_140 = tpu.memref_slice %arg9[%dma_start3A_139] : memref<800xi32, #tpu.memory_space<vmem>> -> memref<80xi32, #tpu.memory_space<vmem>>
        %dma_start3A_141 = arith.constant 0 : i32
        %dma_start3A_142 = arith.constant 0 : i32
        %dma_start3A_143 = tpu.memref_slice %arg4[%dma_start3A_141, %dma_start3A_142] : memref<1000000x32xf32, #tpu.memory_space<hbm>> -> memref<1000000x32xf32, #tpu.memory_space<hbm>>
        tpu.enqueue_indirect_dma source(%dma_start3A_143 : memref<1000000x32xf32, #tpu.memory_space<hbm>>) target(%dma_start3A_138 : memref<80x32xf32, #tpu.memory_space<vmem>>) offsets(%dma_start3A_140 : memref<80xi32, #tpu.memory_space<vmem>>) semaphore(%arg14 : memref<!tpu.dma_semaphore, #tpu.memory_space<semaphore_mem>>)
        %dma_start3A_144 = arith.constant 560 : i32
        %dma_start3A_145 = arith.constant 0 : i32
        %dma_start3A_146 = tpu.memref_slice %arg12[%dma_start3A_144, %dma_start3A_145] : memref<800x32xf32, #tpu.memory_space<vmem>> -> memref<80x32xf32, #tpu.memory_space<vmem>>
        %dma_start3A_147 = arith.constant 560 : i32
        %dma_start3A_148 = tpu.memref_slice %arg8[%dma_start3A_147] : memref<800xi32, #tpu.memory_space<vmem>> -> memref<80xi32, #tpu.memory_space<vmem>>
        %dma_start3A_149 = arith.constant 0 : i32
        %dma_start3A_150 = arith.constant 0 : i32
        %dma_start3A_151 = tpu.memref_slice %arg4[%dma_start3A_149, %dma_start3A_150] : memref<1000000x32xf32, #tpu.memory_space<hbm>> -> memref<1000000x32xf32, #tpu.memory_space<hbm>>
        tpu.enqueue_indirect_dma source(%dma_start3A_151 : memref<1000000x32xf32, #tpu.memory_space<hbm>>) target(%dma_start3A_146 : memref<80x32xf32, #tpu.memory_space<vmem>>) offsets(%dma_start3A_148 : memref<80xi32, #tpu.memory_space<vmem>>) semaphore(%arg14 : memref<!tpu.dma_semaphore, #tpu.memory_space<semaphore_mem>>)
        %dma_start3A_152 = arith.constant 560 : i32
        %dma_start3A_153 = arith.constant 0 : i32
        %dma_start3A_154 = tpu.memref_slice %arg13[%dma_start3A_152, %dma_start3A_153] : memref<800x32xf32, #tpu.memory_space<vmem>> -> memref<80x32xf32, #tpu.memory_space<vmem>>
        %dma_start3A_155 = arith.constant 560 : i32
        %dma_start3A_156 = tpu.memref_slice %arg9[%dma_start3A_155] : memref<800xi32, #tpu.memory_space<vmem>> -> memref<80xi32, #tpu.memory_space<vmem>>
        %dma_start3A_157 = arith.constant 0 : i32
        %dma_start3A_158 = arith.constant 0 : i32
        %dma_start3A_159 = tpu.memref_slice %arg4[%dma_start3A_157, %dma_start3A_158] : memref<1000000x32xf32, #tpu.memory_space<hbm>> -> memref<1000000x32xf32, #tpu.memory_space<hbm>>
        tpu.enqueue_indirect_dma source(%dma_start3A_159 : memref<1000000x32xf32, #tpu.memory_space<hbm>>) target(%dma_start3A_154 : memref<80x32xf32, #tpu.memory_space<vmem>>) offsets(%dma_start3A_156 : memref<80xi32, #tpu.memory_space<vmem>>) semaphore(%arg14 : memref<!tpu.dma_semaphore, #tpu.memory_space<semaphore_mem>>)
        %dma_start3A_160 = arith.constant 640 : i32
        %dma_start3A_161 = arith.constant 0 : i32
        %dma_start3A_162 = tpu.memref_slice %arg12[%dma_start3A_160, %dma_start3A_161] : memref<800x32xf32, #tpu.memory_space<vmem>> -> memref<80x32xf32, #tpu.memory_space<vmem>>
        %dma_start3A_163 = arith.constant 640 : i32
        %dma_start3A_164 = tpu.memref_slice %arg8[%dma_start3A_163] : memref<800xi32, #tpu.memory_space<vmem>> -> memref<80xi32, #tpu.memory_space<vmem>>
        %dma_start3A_165 = arith.constant 0 : i32
        %dma_start3A_166 = arith.constant 0 : i32
        %dma_start3A_167 = tpu.memref_slice %arg4[%dma_start3A_165, %dma_start3A_166] : memref<1000000x32xf32, #tpu.memory_space<hbm>> -> memref<1000000x32xf32, #tpu.memory_space<hbm>>
        tpu.enqueue_indirect_dma source(%dma_start3A_167 : memref<1000000x32xf32, #tpu.memory_space<hbm>>) target(%dma_start3A_162 : memref<80x32xf32, #tpu.memory_space<vmem>>) offsets(%dma_start3A_164 : memref<80xi32, #tpu.memory_space<vmem>>) semaphore(%arg14 : memref<!tpu.dma_semaphore, #tpu.memory_space<semaphore_mem>>)
        %dma_start3A_168 = arith.constant 640 : i32
        %dma_start3A_169 = arith.constant 0 : i32
        %dma_start3A_170 = tpu.memref_slice %arg13[%dma_start3A_168, %dma_start3A_169] : memref<800x32xf32, #tpu.memory_space<vmem>> -> memref<80x32xf32, #tpu.memory_space<vmem>>
        %dma_start3A_171 = arith.constant 640 : i32
        %dma_start3A_172 = tpu.memref_slice %arg9[%dma_start3A_171] : memref<800xi32, #tpu.memory_space<vmem>> -> memref<80xi32, #tpu.memory_space<vmem>>
        %dma_start3A_173 = arith.constant 0 : i32
        %dma_start3A_174 = arith.constant 0 : i32
        %dma_start3A_175 = tpu.memref_slice %arg4[%dma_start3A_173, %dma_start3A_174] : memref<1000000x32xf32, #tpu.memory_space<hbm>> -> memref<1000000x32xf32, #tpu.memory_space<hbm>>
        tpu.enqueue_indirect_dma source(%dma_start3A_175 : memref<1000000x32xf32, #tpu.memory_space<hbm>>) target(%dma_start3A_170 : memref<80x32xf32, #tpu.memory_space<vmem>>) offsets(%dma_start3A_172 : memref<80xi32, #tpu.memory_space<vmem>>) semaphore(%arg14 : memref<!tpu.dma_semaphore, #tpu.memory_space<semaphore_mem>>)
        %dma_start3A_176 = arith.constant 720 : i32
        %dma_start3A_177 = arith.constant 0 : i32
        %dma_start3A_178 = tpu.memref_slice %arg12[%dma_start3A_176, %dma_start3A_177] : memref<800x32xf32, #tpu.memory_space<vmem>> -> memref<80x32xf32, #tpu.memory_space<vmem>>
        %dma_start3A_179 = arith.constant 720 : i32
        %dma_start3A_180 = tpu.memref_slice %arg8[%dma_start3A_179] : memref<800xi32, #tpu.memory_space<vmem>> -> memref<80xi32, #tpu.memory_space<vmem>>
        %dma_start3A_181 = arith.constant 0 : i32
        %dma_start3A_182 = arith.constant 0 : i32
        %dma_start3A_183 = tpu.memref_slice %arg4[%dma_start3A_181, %dma_start3A_182] : memref<1000000x32xf32, #tpu.memory_space<hbm>> -> memref<1000000x32xf32, #tpu.memory_space<hbm>>
        tpu.enqueue_indirect_dma source(%dma_start3A_183 : memref<1000000x32xf32, #tpu.memory_space<hbm>>) target(%dma_start3A_178 : memref<80x32xf32, #tpu.memory_space<vmem>>) offsets(%dma_start3A_180 : memref<80xi32, #tpu.memory_space<vmem>>) semaphore(%arg14 : memref<!tpu.dma_semaphore, #tpu.memory_space<semaphore_mem>>)
        %dma_start3A_184 = arith.constant 720 : i32
        %dma_start3A_185 = arith.constant 0 : i32
        %dma_start3A_186 = tpu.memref_slice %arg13[%dma_start3A_184, %dma_start3A_185] : memref<800x32xf32, #tpu.memory_space<vmem>> -> memref<80x32xf32, #tpu.memory_space<vmem>>
        %dma_start3A_187 = arith.constant 720 : i32
        %dma_start3A_188 = tpu.memref_slice %arg9[%dma_start3A_187] : memref<800xi32, #tpu.memory_space<vmem>> -> memref<80xi32, #tpu.memory_space<vmem>>
        %dma_start3A_189 = arith.constant 0 : i32
        %dma_start3A_190 = arith.constant 0 : i32
        %dma_start3A_191 = tpu.memref_slice %arg4[%dma_start3A_189, %dma_start3A_190] : memref<1000000x32xf32, #tpu.memory_space<hbm>> -> memref<1000000x32xf32, #tpu.memory_space<hbm>>
        tpu.enqueue_indirect_dma source(%dma_start3A_191 : memref<1000000x32xf32, #tpu.memory_space<hbm>>) target(%dma_start3A_186 : memref<80x32xf32, #tpu.memory_space<vmem>>) offsets(%dma_start3A_188 : memref<80xi32, #tpu.memory_space<vmem>>) semaphore(%arg14 : memref<!tpu.dma_semaphore, #tpu.memory_space<semaphore_mem>>)
        %dma_wait3A = arith.constant 0 : i32
        %dma_wait3A_192 = arith.constant 0 : i32
        %dma_wait3A_193 = tpu.memref_slice %arg12[%dma_wait3A, %dma_wait3A_192] : memref<800x32xf32, #tpu.memory_space<vmem>> -> memref<80x32xf32, #tpu.memory_space<vmem>>
        %dma_wait3A_194 = arith.constant 0 : i32
        %dma_wait3A_195 = tpu.memref_slice %arg8[%dma_wait3A_194] : memref<800xi32, #tpu.memory_space<vmem>> -> memref<80xi32, #tpu.memory_space<vmem>>
        %dma_wait3A_196 = arith.constant 0 : i32
        %dma_wait3A_197 = arith.constant 0 : i32
        %dma_wait3A_198 = tpu.memref_slice %arg4[%dma_wait3A_196, %dma_wait3A_197] : memref<1000000x32xf32, #tpu.memory_space<hbm>> -> memref<1000000x32xf32, #tpu.memory_space<hbm>>
        tpu.wait_indirect_dma semaphore(%arg14 : memref<!tpu.dma_semaphore, #tpu.memory_space<semaphore_mem>>) src(%dma_wait3A_198 : memref<1000000x32xf32, #tpu.memory_space<hbm>>) dst(%dma_wait3A_193 : memref<80x32xf32, #tpu.memory_space<vmem>>)
        %dma_wait3A_199 = arith.constant 0 : i32
        %dma_wait3A_200 = arith.constant 0 : i32
        %dma_wait3A_201 = tpu.memref_slice %arg13[%dma_wait3A_199, %dma_wait3A_200] : memref<800x32xf32, #tpu.memory_space<vmem>> -> memref<80x32xf32, #tpu.memory_space<vmem>>
        %dma_wait3A_202 = arith.constant 0 : i32
        %dma_wait3A_203 = tpu.memref_slice %arg9[%dma_wait3A_202] : memref<800xi32, #tpu.memory_space<vmem>> -> memref<80xi32, #tpu.memory_space<vmem>>
        %dma_wait3A_204 = arith.constant 0 : i32
        %dma_wait3A_205 = arith.constant 0 : i32
        %dma_wait3A_206 = tpu.memref_slice %arg4[%dma_wait3A_204, %dma_wait3A_205] : memref<1000000x32xf32, #tpu.memory_space<hbm>> -> memref<1000000x32xf32, #tpu.memory_space<hbm>>
        tpu.wait_indirect_dma semaphore(%arg14 : memref<!tpu.dma_semaphore, #tpu.memory_space<semaphore_mem>>) src(%dma_wait3A_206 : memref<1000000x32xf32, #tpu.memory_space<hbm>>) dst(%dma_wait3A_201 : memref<80x32xf32, #tpu.memory_space<vmem>>)
        %dma_wait3A_207 = arith.constant 80 : i32
        %dma_wait3A_208 = arith.constant 0 : i32
        %dma_wait3A_209 = tpu.memref_slice %arg12[%dma_wait3A_207, %dma_wait3A_208] : memref<800x32xf32, #tpu.memory_space<vmem>> -> memref<80x32xf32, #tpu.memory_space<vmem>>
        %dma_wait3A_210 = arith.constant 80 : i32
        %dma_wait3A_211 = tpu.memref_slice %arg8[%dma_wait3A_210] : memref<800xi32, #tpu.memory_space<vmem>> -> memref<80xi32, #tpu.memory_space<vmem>>
        %dma_wait3A_212 = arith.constant 0 : i32
        %dma_wait3A_213 = arith.constant 0 : i32
        %dma_wait3A_214 = tpu.memref_slice %arg4[%dma_wait3A_212, %dma_wait3A_213] : memref<1000000x32xf32, #tpu.memory_space<hbm>> -> memref<1000000x32xf32, #tpu.memory_space<hbm>>
        tpu.wait_indirect_dma semaphore(%arg14 : memref<!tpu.dma_semaphore, #tpu.memory_space<semaphore_mem>>) src(%dma_wait3A_214 : memref<1000000x32xf32, #tpu.memory_space<hbm>>) dst(%dma_wait3A_209 : memref<80x32xf32, #tpu.memory_space<vmem>>)
        %dma_wait3A_215 = arith.constant 80 : i32
        %dma_wait3A_216 = arith.constant 0 : i32
        %dma_wait3A_217 = tpu.memref_slice %arg13[%dma_wait3A_215, %dma_wait3A_216] : memref<800x32xf32, #tpu.memory_space<vmem>> -> memref<80x32xf32, #tpu.memory_space<vmem>>
        %dma_wait3A_218 = arith.constant 80 : i32
        %dma_wait3A_219 = tpu.memref_slice %arg9[%dma_wait3A_218] : memref<800xi32, #tpu.memory_space<vmem>> -> memref<80xi32, #tpu.memory_space<vmem>>
        %dma_wait3A_220 = arith.constant 0 : i32
        %dma_wait3A_221 = arith.constant 0 : i32
        %dma_wait3A_222 = tpu.memref_slice %arg4[%dma_wait3A_220, %dma_wait3A_221] : memref<1000000x32xf32, #tpu.memory_space<hbm>> -> memref<1000000x32xf32, #tpu.memory_space<hbm>>
        tpu.wait_indirect_dma semaphore(%arg14 : memref<!tpu.dma_semaphore, #tpu.memory_space<semaphore_mem>>) src(%dma_wait3A_222 : memref<1000000x32xf32, #tpu.memory_space<hbm>>) dst(%dma_wait3A_217 : memref<80x32xf32, #tpu.memory_space<vmem>>)
        %dma_wait3A_223 = arith.constant 160 : i32
        %dma_wait3A_224 = arith.constant 0 : i32
        %dma_wait3A_225 = tpu.memref_slice %arg12[%dma_wait3A_223, %dma_wait3A_224] : memref<800x32xf32, #tpu.memory_space<vmem>> -> memref<80x32xf32, #tpu.memory_space<vmem>>
        %dma_wait3A_226 = arith.constant 160 : i32
        %dma_wait3A_227 = tpu.memref_slice %arg8[%dma_wait3A_226] : memref<800xi32, #tpu.memory_space<vmem>> -> memref<80xi32, #tpu.memory_space<vmem>>
        %dma_wait3A_228 = arith.constant 0 : i32
        %dma_wait3A_229 = arith.constant 0 : i32
        %dma_wait3A_230 = tpu.memref_slice %arg4[%dma_wait3A_228, %dma_wait3A_229] : memref<1000000x32xf32, #tpu.memory_space<hbm>> -> memref<1000000x32xf32, #tpu.memory_space<hbm>>
        tpu.wait_indirect_dma semaphore(%arg14 : memref<!tpu.dma_semaphore, #tpu.memory_space<semaphore_mem>>) src(%dma_wait3A_230 : memref<1000000x32xf32, #tpu.memory_space<hbm>>) dst(%dma_wait3A_225 : memref<80x32xf32, #tpu.memory_space<vmem>>)
        %dma_wait3A_231 = arith.constant 160 : i32
        %dma_wait3A_232 = arith.constant 0 : i32
        %dma_wait3A_233 = tpu.memref_slice %arg13[%dma_wait3A_231, %dma_wait3A_232] : memref<800x32xf32, #tpu.memory_space<vmem>> -> memref<80x32xf32, #tpu.memory_space<vmem>>
        %dma_wait3A_234 = arith.constant 160 : i32
        %dma_wait3A_235 = tpu.memref_slice %arg9[%dma_wait3A_234] : memref<800xi32, #tpu.memory_space<vmem>> -> memref<80xi32, #tpu.memory_space<vmem>>
        %dma_wait3A_236 = arith.constant 0 : i32
        %dma_wait3A_237 = arith.constant 0 : i32
        %dma_wait3A_238 = tpu.memref_slice %arg4[%dma_wait3A_236, %dma_wait3A_237] : memref<1000000x32xf32, #tpu.memory_space<hbm>> -> memref<1000000x32xf32, #tpu.memory_space<hbm>>
        tpu.wait_indirect_dma semaphore(%arg14 : memref<!tpu.dma_semaphore, #tpu.memory_space<semaphore_mem>>) src(%dma_wait3A_238 : memref<1000000x32xf32, #tpu.memory_space<hbm>>) dst(%dma_wait3A_233 : memref<80x32xf32, #tpu.memory_space<vmem>>)
        %dma_wait3A_239 = arith.constant 240 : i32
        %dma_wait3A_240 = arith.constant 0 : i32
        %dma_wait3A_241 = tpu.memref_slice %arg12[%dma_wait3A_239, %dma_wait3A_240] : memref<800x32xf32, #tpu.memory_space<vmem>> -> memref<80x32xf32, #tpu.memory_space<vmem>>
        %dma_wait3A_242 = arith.constant 240 : i32
        %dma_wait3A_243 = tpu.memref_slice %arg8[%dma_wait3A_242] : memref<800xi32, #tpu.memory_space<vmem>> -> memref<80xi32, #tpu.memory_space<vmem>>
        %dma_wait3A_244 = arith.constant 0 : i32
        %dma_wait3A_245 = arith.constant 0 : i32
        %dma_wait3A_246 = tpu.memref_slice %arg4[%dma_wait3A_244, %dma_wait3A_245] : memref<1000000x32xf32, #tpu.memory_space<hbm>> -> memref<1000000x32xf32, #tpu.memory_space<hbm>>
        tpu.wait_indirect_dma semaphore(%arg14 : memref<!tpu.dma_semaphore, #tpu.memory_space<semaphore_mem>>) src(%dma_wait3A_246 : memref<1000000x32xf32, #tpu.memory_space<hbm>>) dst(%dma_wait3A_241 : memref<80x32xf32, #tpu.memory_space<vmem>>)
        %dma_wait3A_247 = arith.constant 240 : i32
        %dma_wait3A_248 = arith.constant 0 : i32
        %dma_wait3A_249 = tpu.memref_slice %arg13[%dma_wait3A_247, %dma_wait3A_248] : memref<800x32xf32, #tpu.memory_space<vmem>> -> memref<80x32xf32, #tpu.memory_space<vmem>>
        %dma_wait3A_250 = arith.constant 240 : i32
        %dma_wait3A_251 = tpu.memref_slice %arg9[%dma_wait3A_250] : memref<800xi32, #tpu.memory_space<vmem>> -> memref<80xi32, #tpu.memory_space<vmem>>
        %dma_wait3A_252 = arith.constant 0 : i32
        %dma_wait3A_253 = arith.constant 0 : i32
        %dma_wait3A_254 = tpu.memref_slice %arg4[%dma_wait3A_252, %dma_wait3A_253] : memref<1000000x32xf32, #tpu.memory_space<hbm>> -> memref<1000000x32xf32, #tpu.memory_space<hbm>>
        tpu.wait_indirect_dma semaphore(%arg14 : memref<!tpu.dma_semaphore, #tpu.memory_space<semaphore_mem>>) src(%dma_wait3A_254 : memref<1000000x32xf32, #tpu.memory_space<hbm>>) dst(%dma_wait3A_249 : memref<80x32xf32, #tpu.memory_space<vmem>>)
        %dma_wait3A_255 = arith.constant 320 : i32
        %dma_wait3A_256 = arith.constant 0 : i32
        %dma_wait3A_257 = tpu.memref_slice %arg12[%dma_wait3A_255, %dma_wait3A_256] : memref<800x32xf32, #tpu.memory_space<vmem>> -> memref<80x32xf32, #tpu.memory_space<vmem>>
        %dma_wait3A_258 = arith.constant 320 : i32
        %dma_wait3A_259 = tpu.memref_slice %arg8[%dma_wait3A_258] : memref<800xi32, #tpu.memory_space<vmem>> -> memref<80xi32, #tpu.memory_space<vmem>>
        %dma_wait3A_260 = arith.constant 0 : i32
        %dma_wait3A_261 = arith.constant 0 : i32
        %dma_wait3A_262 = tpu.memref_slice %arg4[%dma_wait3A_260, %dma_wait3A_261] : memref<1000000x32xf32, #tpu.memory_space<hbm>> -> memref<1000000x32xf32, #tpu.memory_space<hbm>>
        tpu.wait_indirect_dma semaphore(%arg14 : memref<!tpu.dma_semaphore, #tpu.memory_space<semaphore_mem>>) src(%dma_wait3A_262 : memref<1000000x32xf32, #tpu.memory_space<hbm>>) dst(%dma_wait3A_257 : memref<80x32xf32, #tpu.memory_space<vmem>>)
        %dma_wait3A_263 = arith.constant 320 : i32
        %dma_wait3A_264 = arith.constant 0 : i32
        %dma_wait3A_265 = tpu.memref_slice %arg13[%dma_wait3A_263, %dma_wait3A_264] : memref<800x32xf32, #tpu.memory_space<vmem>> -> memref<80x32xf32, #tpu.memory_space<vmem>>
        %dma_wait3A_266 = arith.constant 320 : i32
        %dma_wait3A_267 = tpu.memref_slice %arg9[%dma_wait3A_266] : memref<800xi32, #tpu.memory_space<vmem>> -> memref<80xi32, #tpu.memory_space<vmem>>
        %dma_wait3A_268 = arith.constant 0 : i32
        %dma_wait3A_269 = arith.constant 0 : i32
        %dma_wait3A_270 = tpu.memref_slice %arg4[%dma_wait3A_268, %dma_wait3A_269] : memref<1000000x32xf32, #tpu.memory_space<hbm>> -> memref<1000000x32xf32, #tpu.memory_space<hbm>>
        tpu.wait_indirect_dma semaphore(%arg14 : memref<!tpu.dma_semaphore, #tpu.memory_space<semaphore_mem>>) src(%dma_wait3A_270 : memref<1000000x32xf32, #tpu.memory_space<hbm>>) dst(%dma_wait3A_265 : memref<80x32xf32, #tpu.memory_space<vmem>>)
        %dma_wait3A_271 = arith.constant 400 : i32
        %dma_wait3A_272 = arith.constant 0 : i32
        %dma_wait3A_273 = tpu.memref_slice %arg12[%dma_wait3A_271, %dma_wait3A_272] : memref<800x32xf32, #tpu.memory_space<vmem>> -> memref<80x32xf32, #tpu.memory_space<vmem>>
        %dma_wait3A_274 = arith.constant 400 : i32
        %dma_wait3A_275 = tpu.memref_slice %arg8[%dma_wait3A_274] : memref<800xi32, #tpu.memory_space<vmem>> -> memref<80xi32, #tpu.memory_space<vmem>>
        %dma_wait3A_276 = arith.constant 0 : i32
        %dma_wait3A_277 = arith.constant 0 : i32
        %dma_wait3A_278 = tpu.memref_slice %arg4[%dma_wait3A_276, %dma_wait3A_277] : memref<1000000x32xf32, #tpu.memory_space<hbm>> -> memref<1000000x32xf32, #tpu.memory_space<hbm>>
        tpu.wait_indirect_dma semaphore(%arg14 : memref<!tpu.dma_semaphore, #tpu.memory_space<semaphore_mem>>) src(%dma_wait3A_278 : memref<1000000x32xf32, #tpu.memory_space<hbm>>) dst(%dma_wait3A_273 : memref<80x32xf32, #tpu.memory_space<vmem>>)
        %dma_wait3A_279 = arith.constant 400 : i32
        %dma_wait3A_280 = arith.constant 0 : i32
        %dma_wait3A_281 = tpu.memref_slice %arg13[%dma_wait3A_279, %dma_wait3A_280] : memref<800x32xf32, #tpu.memory_space<vmem>> -> memref<80x32xf32, #tpu.memory_space<vmem>>
        %dma_wait3A_282 = arith.constant 400 : i32
        %dma_wait3A_283 = tpu.memref_slice %arg9[%dma_wait3A_282] : memref<800xi32, #tpu.memory_space<vmem>> -> memref<80xi32, #tpu.memory_space<vmem>>
        %dma_wait3A_284 = arith.constant 0 : i32
        %dma_wait3A_285 = arith.constant 0 : i32
        %dma_wait3A_286 = tpu.memref_slice %arg4[%dma_wait3A_284, %dma_wait3A_285] : memref<1000000x32xf32, #tpu.memory_space<hbm>> -> memref<1000000x32xf32, #tpu.memory_space<hbm>>
        tpu.wait_indirect_dma semaphore(%arg14 : memref<!tpu.dma_semaphore, #tpu.memory_space<semaphore_mem>>) src(%dma_wait3A_286 : memref<1000000x32xf32, #tpu.memory_space<hbm>>) dst(%dma_wait3A_281 : memref<80x32xf32, #tpu.memory_space<vmem>>)
        %dma_wait3A_287 = arith.constant 480 : i32
        %dma_wait3A_288 = arith.constant 0 : i32
        %dma_wait3A_289 = tpu.memref_slice %arg12[%dma_wait3A_287, %dma_wait3A_288] : memref<800x32xf32, #tpu.memory_space<vmem>> -> memref<80x32xf32, #tpu.memory_space<vmem>>
        %dma_wait3A_290 = arith.constant 480 : i32
        %dma_wait3A_291 = tpu.memref_slice %arg8[%dma_wait3A_290] : memref<800xi32, #tpu.memory_space<vmem>> -> memref<80xi32, #tpu.memory_space<vmem>>
        %dma_wait3A_292 = arith.constant 0 : i32
        %dma_wait3A_293 = arith.constant 0 : i32
        %dma_wait3A_294 = tpu.memref_slice %arg4[%dma_wait3A_292, %dma_wait3A_293] : memref<1000000x32xf32, #tpu.memory_space<hbm>> -> memref<1000000x32xf32, #tpu.memory_space<hbm>>
        tpu.wait_indirect_dma semaphore(%arg14 : memref<!tpu.dma_semaphore, #tpu.memory_space<semaphore_mem>>) src(%dma_wait3A_294 : memref<1000000x32xf32, #tpu.memory_space<hbm>>) dst(%dma_wait3A_289 : memref<80x32xf32, #tpu.memory_space<vmem>>)
        %dma_wait3A_295 = arith.constant 480 : i32
        %dma_wait3A_296 = arith.constant 0 : i32
        %dma_wait3A_297 = tpu.memref_slice %arg13[%dma_wait3A_295, %dma_wait3A_296] : memref<800x32xf32, #tpu.memory_space<vmem>> -> memref<80x32xf32, #tpu.memory_space<vmem>>
        %dma_wait3A_298 = arith.constant 480 : i32
        %dma_wait3A_299 = tpu.memref_slice %arg9[%dma_wait3A_298] : memref<800xi32, #tpu.memory_space<vmem>> -> memref<80xi32, #tpu.memory_space<vmem>>
        %dma_wait3A_300 = arith.constant 0 : i32
        %dma_wait3A_301 = arith.constant 0 : i32
        %dma_wait3A_302 = tpu.memref_slice %arg4[%dma_wait3A_300, %dma_wait3A_301] : memref<1000000x32xf32, #tpu.memory_space<hbm>> -> memref<1000000x32xf32, #tpu.memory_space<hbm>>
        tpu.wait_indirect_dma semaphore(%arg14 : memref<!tpu.dma_semaphore, #tpu.memory_space<semaphore_mem>>) src(%dma_wait3A_302 : memref<1000000x32xf32, #tpu.memory_space<hbm>>) dst(%dma_wait3A_297 : memref<80x32xf32, #tpu.memory_space<vmem>>)
        %dma_wait3A_303 = arith.constant 560 : i32
        %dma_wait3A_304 = arith.constant 0 : i32
        %dma_wait3A_305 = tpu.memref_slice %arg12[%dma_wait3A_303, %dma_wait3A_304] : memref<800x32xf32, #tpu.memory_space<vmem>> -> memref<80x32xf32, #tpu.memory_space<vmem>>
        %dma_wait3A_306 = arith.constant 560 : i32
        %dma_wait3A_307 = tpu.memref_slice %arg8[%dma_wait3A_306] : memref<800xi32, #tpu.memory_space<vmem>> -> memref<80xi32, #tpu.memory_space<vmem>>
        %dma_wait3A_308 = arith.constant 0 : i32
        %dma_wait3A_309 = arith.constant 0 : i32
        %dma_wait3A_310 = tpu.memref_slice %arg4[%dma_wait3A_308, %dma_wait3A_309] : memref<1000000x32xf32, #tpu.memory_space<hbm>> -> memref<1000000x32xf32, #tpu.memory_space<hbm>>
        tpu.wait_indirect_dma semaphore(%arg14 : memref<!tpu.dma_semaphore, #tpu.memory_space<semaphore_mem>>) src(%dma_wait3A_310 : memref<1000000x32xf32, #tpu.memory_space<hbm>>) dst(%dma_wait3A_305 : memref<80x32xf32, #tpu.memory_space<vmem>>)
        %dma_wait3A_311 = arith.constant 560 : i32
        %dma_wait3A_312 = arith.constant 0 : i32
        %dma_wait3A_313 = tpu.memref_slice %arg13[%dma_wait3A_311, %dma_wait3A_312] : memref<800x32xf32, #tpu.memory_space<vmem>> -> memref<80x32xf32, #tpu.memory_space<vmem>>
        %dma_wait3A_314 = arith.constant 560 : i32
        %dma_wait3A_315 = tpu.memref_slice %arg9[%dma_wait3A_314] : memref<800xi32, #tpu.memory_space<vmem>> -> memref<80xi32, #tpu.memory_space<vmem>>
        %dma_wait3A_316 = arith.constant 0 : i32
        %dma_wait3A_317 = arith.constant 0 : i32
        %dma_wait3A_318 = tpu.memref_slice %arg4[%dma_wait3A_316, %dma_wait3A_317] : memref<1000000x32xf32, #tpu.memory_space<hbm>> -> memref<1000000x32xf32, #tpu.memory_space<hbm>>
        tpu.wait_indirect_dma semaphore(%arg14 : memref<!tpu.dma_semaphore, #tpu.memory_space<semaphore_mem>>) src(%dma_wait3A_318 : memref<1000000x32xf32, #tpu.memory_space<hbm>>) dst(%dma_wait3A_313 : memref<80x32xf32, #tpu.memory_space<vmem>>)
        %dma_wait3A_319 = arith.constant 640 : i32
        %dma_wait3A_320 = arith.constant 0 : i32
        %dma_wait3A_321 = tpu.memref_slice %arg12[%dma_wait3A_319, %dma_wait3A_320] : memref<800x32xf32, #tpu.memory_space<vmem>> -> memref<80x32xf32, #tpu.memory_space<vmem>>
        %dma_wait3A_322 = arith.constant 640 : i32
        %dma_wait3A_323 = tpu.memref_slice %arg8[%dma_wait3A_322] : memref<800xi32, #tpu.memory_space<vmem>> -> memref<80xi32, #tpu.memory_space<vmem>>
        %dma_wait3A_324 = arith.constant 0 : i32
        %dma_wait3A_325 = arith.constant 0 : i32
        %dma_wait3A_326 = tpu.memref_slice %arg4[%dma_wait3A_324, %dma_wait3A_325] : memref<1000000x32xf32, #tpu.memory_space<hbm>> -> memref<1000000x32xf32, #tpu.memory_space<hbm>>
        tpu.wait_indirect_dma semaphore(%arg14 : memref<!tpu.dma_semaphore, #tpu.memory_space<semaphore_mem>>) src(%dma_wait3A_326 : memref<1000000x32xf32, #tpu.memory_space<hbm>>) dst(%dma_wait3A_321 : memref<80x32xf32, #tpu.memory_space<vmem>>)
        %dma_wait3A_327 = arith.constant 640 : i32
        %dma_wait3A_328 = arith.constant 0 : i32
        %dma_wait3A_329 = tpu.memref_slice %arg13[%dma_wait3A_327, %dma_wait3A_328] : memref<800x32xf32, #tpu.memory_space<vmem>> -> memref<80x32xf32, #tpu.memory_space<vmem>>
        %dma_wait3A_330 = arith.constant 640 : i32
        %dma_wait3A_331 = tpu.memref_slice %arg9[%dma_wait3A_330] : memref<800xi32, #tpu.memory_space<vmem>> -> memref<80xi32, #tpu.memory_space<vmem>>
        %dma_wait3A_332 = arith.constant 0 : i32
        %dma_wait3A_333 = arith.constant 0 : i32
        %dma_wait3A_334 = tpu.memref_slice %arg4[%dma_wait3A_332, %dma_wait3A_333] : memref<1000000x32xf32, #tpu.memory_space<hbm>> -> memref<1000000x32xf32, #tpu.memory_space<hbm>>
        tpu.wait_indirect_dma semaphore(%arg14 : memref<!tpu.dma_semaphore, #tpu.memory_space<semaphore_mem>>) src(%dma_wait3A_334 : memref<1000000x32xf32, #tpu.memory_space<hbm>>) dst(%dma_wait3A_329 : memref<80x32xf32, #tpu.memory_space<vmem>>)
        %dma_wait3A_335 = arith.constant 720 : i32
        %dma_wait3A_336 = arith.constant 0 : i32
        %dma_wait3A_337 = tpu.memref_slice %arg12[%dma_wait3A_335, %dma_wait3A_336] : memref<800x32xf32, #tpu.memory_space<vmem>> -> memref<80x32xf32, #tpu.memory_space<vmem>>
        %dma_wait3A_338 = arith.constant 720 : i32
        %dma_wait3A_339 = tpu.memref_slice %arg8[%dma_wait3A_338] : memref<800xi32, #tpu.memory_space<vmem>> -> memref<80xi32, #tpu.memory_space<vmem>>
        %dma_wait3A_340 = arith.constant 0 : i32
        %dma_wait3A_341 = arith.constant 0 : i32
        %dma_wait3A_342 = tpu.memref_slice %arg4[%dma_wait3A_340, %dma_wait3A_341] : memref<1000000x32xf32, #tpu.memory_space<hbm>> -> memref<1000000x32xf32, #tpu.memory_space<hbm>>
        tpu.wait_indirect_dma semaphore(%arg14 : memref<!tpu.dma_semaphore, #tpu.memory_space<semaphore_mem>>) src(%dma_wait3A_342 : memref<1000000x32xf32, #tpu.memory_space<hbm>>) dst(%dma_wait3A_337 : memref<80x32xf32, #tpu.memory_space<vmem>>)
        %dma_wait3A_343 = arith.constant 720 : i32
        %dma_wait3A_344 = arith.constant 0 : i32
        %dma_wait3A_345 = tpu.memref_slice %arg13[%dma_wait3A_343, %dma_wait3A_344] : memref<800x32xf32, #tpu.memory_space<vmem>> -> memref<80x32xf32, #tpu.memory_space<vmem>>
        %dma_wait3A_346 = arith.constant 720 : i32
        %dma_wait3A_347 = tpu.memref_slice %arg9[%dma_wait3A_346] : memref<800xi32, #tpu.memory_space<vmem>> -> memref<80xi32, #tpu.memory_space<vmem>>
        %dma_wait3A_348 = arith.constant 0 : i32
        %dma_wait3A_349 = arith.constant 0 : i32
        %dma_wait3A_350 = tpu.memref_slice %arg4[%dma_wait3A_348, %dma_wait3A_349] : memref<1000000x32xf32, #tpu.memory_space<hbm>> -> memref<1000000x32xf32, #tpu.memory_space<hbm>>
        tpu.wait_indirect_dma semaphore(%arg14 : memref<!tpu.dma_semaphore, #tpu.memory_space<semaphore_mem>>) src(%dma_wait3A_350 : memref<1000000x32xf32, #tpu.memory_space<hbm>>) dst(%dma_wait3A_345 : memref<80x32xf32, #tpu.memory_space<vmem>>)
        %scan3A_351 = arith.constant 0 : i32
        %scan3A_352 = arith.constant 0 : i32
        %scan3A_353 = arith.constant 50 : i32
        %scan3A_354 = arith.addi %scan3A_352, %scan3A_353 : i32
        %scan3A_355 = arith.constant 1 : i32
        %scan3A_356 = scf.for %scan3A_358 = %scan3A_352 to %scan3A_354 step %scan3A_355 iter_args(%scan3A_359 = %scan3A_351) -> (i32)  : i32 {
          %mul3A_360 = arith.constant 16 : i32
          %mul3A_361 = arith.muli %scan3A_358, %mul3A_360 : i32
          %get3A_362 = arith.index_cast %mul3A_361 : i32 to index
          %get3A_363 = tpu.vector_load %arg10[%get3A_362] {strides = array<i32>} : memref<800xf32, #tpu.memory_space<vmem>>, vector<16xf32>,
          %get3A_364 = vector.shape_cast %get3A_363 : vector<16xf32> to vector<16xf32>
          %get3A_365 = arith.index_cast %mul3A_361 : i32 to index
          %get3A_366 = tpu.vector_load %arg11[%get3A_365] {strides = array<i32>} : memref<800xf32, #tpu.memory_space<vmem>>, vector<16xf32>,
          %get3A_367 = vector.shape_cast %get3A_366 : vector<16xf32> to vector<16xf32>
          %broadcast_in_dim3A = arith.constant 0 : i32
          %broadcast_in_dim3A_368 = vector.broadcast %broadcast_in_dim3A : i32 to vector<16x1xi32>
          %gather3A = vector.shape_cast %broadcast_in_dim3A_368 : vector<16x1xi32> to vector<16xi32>
          %gather3A_369 = tpu.dynamic_gather %get3A_364[%gather3A] in [0] : vector<16xf32>, vector<16xi32> -> vector<16xf32>
          %broadcast_in_dim3A_370 = arith.constant 0 : i32
          %broadcast_in_dim3A_371 = vector.broadcast %broadcast_in_dim3A_370 : i32 to vector<16x1xi32>
          %gather3A_372 = vector.shape_cast %broadcast_in_dim3A_371 : vector<16x1xi32> to vector<16xi32>
          %gather3A_373 = tpu.dynamic_gather %get3A_367[%gather3A_372] in [0] : vector<16xf32>, vector<16xi32> -> vector<16xf32>
          %add3A_374 = arith.constant 0 : i32
          %add3A_375 = arith.addi %mul3A_361, %add3A_374 : i32
          %get3A_376 = arith.index_cast %add3A_375 : i32 to index
          %get3A_377 = arith.constant 0 : index
          %get3A_378 = tpu.vector_load %arg12[%get3A_376, %get3A_377] {strides = array<i32>} : memref<800x32xf32, #tpu.memory_space<vmem>>, vector<1x16xf32>,
          %get3A_379 = vector.shape_cast %get3A_378 : vector<1x16xf32> to vector<16xf32>
          %mul3A_380 = arith.mulf %get3A_379, %gather3A_369 : vector<16xf32>
          %get3A_381 = arith.index_cast %add3A_375 : i32 to index
          %get3A_382 = arith.constant 0 : index
          %get3A_383 = tpu.vector_load %arg13[%get3A_381, %get3A_382] {strides = array<i32>} : memref<800x32xf32, #tpu.memory_space<vmem>>, vector<1x16xf32>,
          %get3A_384 = vector.shape_cast %get3A_383 : vector<1x16xf32> to vector<16xf32>
          %mul3A_385 = arith.mulf %get3A_384, %gather3A_373 : vector<16xf32>
          %add3A_386 = arith.addf %mul3A_380, %mul3A_385 : vector<16xf32>
          %swap3A = arith.index_cast %add3A_375 : i32 to index
          %swap3A_387 = arith.constant 0 : index
          %swap3A_388 = tpu.vector_load %arg12[%swap3A, %swap3A_387] {strides = array<i32>} : memref<800x32xf32, #tpu.memory_space<vmem>>, vector<1x16xf32>,
          %swap3A_389 = vector.shape_cast %swap3A_388 : vector<1x16xf32> to vector<16xf32>
          %swap3A_390 = vector.shape_cast %add3A_386 : vector<16xf32> to vector<1x16xf32>
          tpu.vector_store %arg12[%swap3A, %swap3A_387], %swap3A_390 {strides = array<i32>} : memref<800x32xf32, #tpu.memory_space<vmem>>, vector<1x16xf32>,
          %get3A_391 = arith.index_cast %add3A_375 : i32 to index
          %get3A_392 = arith.constant 16 : index
          %get3A_393 = tpu.vector_load %arg12[%get3A_391, %get3A_392] {strides = array<i32>} : memref<800x32xf32, #tpu.memory_space<vmem>>, vector<1x16xf32>,
          %get3A_394 = vector.shape_cast %get3A_393 : vector<1x16xf32> to vector<16xf32>
          %mul3A_395 = arith.mulf %get3A_394, %gather3A_369 : vector<16xf32>
          %get3A_396 = arith.index_cast %add3A_375 : i32 to index
          %get3A_397 = arith.constant 16 : index
          %get3A_398 = tpu.vector_load %arg13[%get3A_396, %get3A_397] {strides = array<i32>} : memref<800x32xf32, #tpu.memory_space<vmem>>, vector<1x16xf32>,
          %get3A_399 = vector.shape_cast %get3A_398 : vector<1x16xf32> to vector<16xf32>
          %mul3A_400 = arith.mulf %get3A_399, %gather3A_373 : vector<16xf32>
          %add3A_401 = arith.addf %mul3A_395, %mul3A_400 : vector<16xf32>
          %swap3A_402 = arith.index_cast %add3A_375 : i32 to index
          %swap3A_403 = arith.constant 16 : index
          %swap3A_404 = tpu.vector_load %arg12[%swap3A_402, %swap3A_403] {strides = array<i32>} : memref<800x32xf32, #tpu.memory_space<vmem>>, vector<1x16xf32>,
          %swap3A_405 = vector.shape_cast %swap3A_404 : vector<1x16xf32> to vector<16xf32>
          %swap3A_406 = vector.shape_cast %add3A_401 : vector<16xf32> to vector<1x16xf32>
          tpu.vector_store %arg12[%swap3A_402, %swap3A_403], %swap3A_406 {strides = array<i32>} : memref<800x32xf32, #tpu.memory_space<vmem>>, vector<1x16xf32>,
          %broadcast_in_dim3A_407 = arith.constant 1 : i32
          %broadcast_in_dim3A_408 = vector.broadcast %broadcast_in_dim3A_407 : i32 to vector<16x1xi32>
          %gather3A_409 = vector.shape_cast %broadcast_in_dim3A_408 : vector<16x1xi32> to vector<16xi32>
          %gather3A_410 = tpu.dynamic_gather %get3A_364[%gather3A_409] in [0] : vector<16xf32>, vector<16xi32> -> vector<16xf32>
          %broadcast_in_dim3A_411 = arith.constant 1 : i32
          %broadcast_in_dim3A_412 = vector.broadcast %broadcast_in_dim3A_411 : i32 to vector<16x1xi32>
          %gather3A_413 = vector.shape_cast %broadcast_in_dim3A_412 : vector<16x1xi32> to vector<16xi32>
          %gather3A_414 = tpu.dynamic_gather %get3A_367[%gather3A_413] in [0] : vector<16xf32>, vector<16xi32> -> vector<16xf32>
          %add3A_415 = arith.constant 1 : i32
          %add3A_416 = arith.addi %mul3A_361, %add3A_415 : i32
          %get3A_417 = arith.index_cast %add3A_416 : i32 to index
          %get3A_418 = arith.constant 0 : index
          %get3A_419 = tpu.vector_load %arg12[%get3A_417, %get3A_418] {strides = array<i32>} : memref<800x32xf32, #tpu.memory_space<vmem>>, vector<1x16xf32>,
          %get3A_420 = vector.shape_cast %get3A_419 : vector<1x16xf32> to vector<16xf32>
          %mul3A_421 = arith.mulf %get3A_420, %gather3A_410 : vector<16xf32>
          %get3A_422 = arith.index_cast %add3A_416 : i32 to index
          %get3A_423 = arith.constant 0 : index
          %get3A_424 = tpu.vector_load %arg13[%get3A_422, %get3A_423] {strides = array<i32>} : memref<800x32xf32, #tpu.memory_space<vmem>>, vector<1x16xf32>,
          %get3A_425 = vector.shape_cast %get3A_424 : vector<1x16xf32> to vector<16xf32>
          %mul3A_426 = arith.mulf %get3A_425, %gather3A_414 : vector<16xf32>
          %add3A_427 = arith.addf %mul3A_421, %mul3A_426 : vector<16xf32>
          %swap3A_428 = arith.index_cast %add3A_416 : i32 to index
          %swap3A_429 = arith.constant 0 : index
          %swap3A_430 = tpu.vector_load %arg12[%swap3A_428, %swap3A_429] {strides = array<i32>} : memref<800x32xf32, #tpu.memory_space<vmem>>, vector<1x16xf32>,
          %swap3A_431 = vector.shape_cast %swap3A_430 : vector<1x16xf32> to vector<16xf32>
          %swap3A_432 = vector.shape_cast %add3A_427 : vector<16xf32> to vector<1x16xf32>
          tpu.vector_store %arg12[%swap3A_428, %swap3A_429], %swap3A_432 {strides = array<i32>} : memref<800x32xf32, #tpu.memory_space<vmem>>, vector<1x16xf32>,
          %get3A_433 = arith.index_cast %add3A_416 : i32 to index
          %get3A_434 = arith.constant 16 : index
          %get3A_435 = tpu.vector_load %arg12[%get3A_433, %get3A_434] {strides = array<i32>} : memref<800x32xf32, #tpu.memory_space<vmem>>, vector<1x16xf32>,
          %get3A_436 = vector.shape_cast %get3A_435 : vector<1x16xf32> to vector<16xf32>
          %mul3A_437 = arith.mulf %get3A_436, %gather3A_410 : vector<16xf32>
          %get3A_438 = arith.index_cast %add3A_416 : i32 to index
          %get3A_439 = arith.constant 16 : index
          %get3A_440 = tpu.vector_load %arg13[%get3A_438, %get3A_439] {strides = array<i32>} : memref<800x32xf32, #tpu.memory_space<vmem>>, vector<1x16xf32>,
          %get3A_441 = vector.shape_cast %get3A_440 : vector<1x16xf32> to vector<16xf32>
          %mul3A_442 = arith.mulf %get3A_441, %gather3A_414 : vector<16xf32>
          %add3A_443 = arith.addf %mul3A_437, %mul3A_442 : vector<16xf32>
          %swap3A_444 = arith.index_cast %add3A_416 : i32 to index
          %swap3A_445 = arith.constant 16 : index
          %swap3A_446 = tpu.vector_load %arg12[%swap3A_444, %swap3A_445] {strides = array<i32>} : memref<800x32xf32, #tpu.memory_space<vmem>>, vector<1x16xf32>,
          %swap3A_447 = vector.shape_cast %swap3A_446 : vector<1x16xf32> to vector<16xf32>
          %swap3A_448 = vector.shape_cast %add3A_443 : vector<16xf32> to vector<1x16xf32>
          tpu.vector_store %arg12[%swap3A_444, %swap3A_445], %swap3A_448 {strides = array<i32>} : memref<800x32xf32, #tpu.memory_space<vmem>>, vector<1x16xf32>,
          %broadcast_in_dim3A_449 = arith.constant 2 : i32
          %broadcast_in_dim3A_450 = vector.broadcast %broadcast_in_dim3A_449 : i32 to vector<16x1xi32>
          %gather3A_451 = vector.shape_cast %broadcast_in_dim3A_450 : vector<16x1xi32> to vector<16xi32>
          %gather3A_452 = tpu.dynamic_gather %get3A_364[%gather3A_451] in [0] : vector<16xf32>, vector<16xi32> -> vector<16xf32>
          %broadcast_in_dim3A_453 = arith.constant 2 : i32
          %broadcast_in_dim3A_454 = vector.broadcast %broadcast_in_dim3A_453 : i32 to vector<16x1xi32>
          %gather3A_455 = vector.shape_cast %broadcast_in_dim3A_454 : vector<16x1xi32> to vector<16xi32>
          %gather3A_456 = tpu.dynamic_gather %get3A_367[%gather3A_455] in [0] : vector<16xf32>, vector<16xi32> -> vector<16xf32>
          %add3A_457 = arith.constant 2 : i32
          %add3A_458 = arith.addi %mul3A_361, %add3A_457 : i32
          %get3A_459 = arith.index_cast %add3A_458 : i32 to index
          %get3A_460 = arith.constant 0 : index
          %get3A_461 = tpu.vector_load %arg12[%get3A_459, %get3A_460] {strides = array<i32>} : memref<800x32xf32, #tpu.memory_space<vmem>>, vector<1x16xf32>,
          %get3A_462 = vector.shape_cast %get3A_461 : vector<1x16xf32> to vector<16xf32>
          %mul3A_463 = arith.mulf %get3A_462, %gather3A_452 : vector<16xf32>
          %get3A_464 = arith.index_cast %add3A_458 : i32 to index
          %get3A_465 = arith.constant 0 : index
          %get3A_466 = tpu.vector_load %arg13[%get3A_464, %get3A_465] {strides = array<i32>} : memref<800x32xf32, #tpu.memory_space<vmem>>, vector<1x16xf32>,
          %get3A_467 = vector.shape_cast %get3A_466 : vector<1x16xf32> to vector<16xf32>
          %mul3A_468 = arith.mulf %get3A_467, %gather3A_456 : vector<16xf32>
          %add3A_469 = arith.addf %mul3A_463, %mul3A_468 : vector<16xf32>
          %swap3A_470 = arith.index_cast %add3A_458 : i32 to index
          %swap3A_471 = arith.constant 0 : index
          %swap3A_472 = tpu.vector_load %arg12[%swap3A_470, %swap3A_471] {strides = array<i32>} : memref<800x32xf32, #tpu.memory_space<vmem>>, vector<1x16xf32>,
          %swap3A_473 = vector.shape_cast %swap3A_472 : vector<1x16xf32> to vector<16xf32>
          %swap3A_474 = vector.shape_cast %add3A_469 : vector<16xf32> to vector<1x16xf32>
          tpu.vector_store %arg12[%swap3A_470, %swap3A_471], %swap3A_474 {strides = array<i32>} : memref<800x32xf32, #tpu.memory_space<vmem>>, vector<1x16xf32>,
          %get3A_475 = arith.index_cast %add3A_458 : i32 to index
          %get3A_476 = arith.constant 16 : index
          %get3A_477 = tpu.vector_load %arg12[%get3A_475, %get3A_476] {strides = array<i32>} : memref<800x32xf32, #tpu.memory_space<vmem>>, vector<1x16xf32>,
          %get3A_478 = vector.shape_cast %get3A_477 : vector<1x16xf32> to vector<16xf32>
          %mul3A_479 = arith.mulf %get3A_478, %gather3A_452 : vector<16xf32>
          %get3A_480 = arith.index_cast %add3A_458 : i32 to index
          %get3A_481 = arith.constant 16 : index
          %get3A_482 = tpu.vector_load %arg13[%get3A_480, %get3A_481] {strides = array<i32>} : memref<800x32xf32, #tpu.memory_space<vmem>>, vector<1x16xf32>,
          %get3A_483 = vector.shape_cast %get3A_482 : vector<1x16xf32> to vector<16xf32>
          %mul3A_484 = arith.mulf %get3A_483, %gather3A_456 : vector<16xf32>
          %add3A_485 = arith.addf %mul3A_479, %mul3A_484 : vector<16xf32>
          %swap3A_486 = arith.index_cast %add3A_458 : i32 to index
          %swap3A_487 = arith.constant 16 : index
          %swap3A_488 = tpu.vector_load %arg12[%swap3A_486, %swap3A_487] {strides = array<i32>} : memref<800x32xf32, #tpu.memory_space<vmem>>, vector<1x16xf32>,
          %swap3A_489 = vector.shape_cast %swap3A_488 : vector<1x16xf32> to vector<16xf32>
          %swap3A_490 = vector.shape_cast %add3A_485 : vector<16xf32> to vector<1x16xf32>
          tpu.vector_store %arg12[%swap3A_486, %swap3A_487], %swap3A_490 {strides = array<i32>} : memref<800x32xf32, #tpu.memory_space<vmem>>, vector<1x16xf32>,
          %broadcast_in_dim3A_491 = arith.constant 3 : i32
          %broadcast_in_dim3A_492 = vector.broadcast %broadcast_in_dim3A_491 : i32 to vector<16x1xi32>
          %gather3A_493 = vector.shape_cast %broadcast_in_dim3A_492 : vector<16x1xi32> to vector<16xi32>
          %gather3A_494 = tpu.dynamic_gather %get3A_364[%gather3A_493] in [0] : vector<16xf32>, vector<16xi32> -> vector<16xf32>
          %broadcast_in_dim3A_495 = arith.constant 3 : i32
          %broadcast_in_dim3A_496 = vector.broadcast %broadcast_in_dim3A_495 : i32 to vector<16x1xi32>
          %gather3A_497 = vector.shape_cast %broadcast_in_dim3A_496 : vector<16x1xi32> to vector<16xi32>
          %gather3A_498 = tpu.dynamic_gather %get3A_367[%gather3A_497] in [0] : vector<16xf32>, vector<16xi32> -> vector<16xf32>
          %add3A_499 = arith.constant 3 : i32
          %add3A_500 = arith.addi %mul3A_361, %add3A_499 : i32
          %get3A_501 = arith.index_cast %add3A_500 : i32 to index
          %get3A_502 = arith.constant 0 : index
          %get3A_503 = tpu.vector_load %arg12[%get3A_501, %get3A_502] {strides = array<i32>} : memref<800x32xf32, #tpu.memory_space<vmem>>, vector<1x16xf32>,
          %get3A_504 = vector.shape_cast %get3A_503 : vector<1x16xf32> to vector<16xf32>
          %mul3A_505 = arith.mulf %get3A_504, %gather3A_494 : vector<16xf32>
          %get3A_506 = arith.index_cast %add3A_500 : i32 to index
          %get3A_507 = arith.constant 0 : index
          %get3A_508 = tpu.vector_load %arg13[%get3A_506, %get3A_507] {strides = array<i32>} : memref<800x32xf32, #tpu.memory_space<vmem>>, vector<1x16xf32>,
          %get3A_509 = vector.shape_cast %get3A_508 : vector<1x16xf32> to vector<16xf32>
          %mul3A_510 = arith.mulf %get3A_509, %gather3A_498 : vector<16xf32>
          %add3A_511 = arith.addf %mul3A_505, %mul3A_510 : vector<16xf32>
          %swap3A_512 = arith.index_cast %add3A_500 : i32 to index
          %swap3A_513 = arith.constant 0 : index
          %swap3A_514 = tpu.vector_load %arg12[%swap3A_512, %swap3A_513] {strides = array<i32>} : memref<800x32xf32, #tpu.memory_space<vmem>>, vector<1x16xf32>,
          %swap3A_515 = vector.shape_cast %swap3A_514 : vector<1x16xf32> to vector<16xf32>
          %swap3A_516 = vector.shape_cast %add3A_511 : vector<16xf32> to vector<1x16xf32>
          tpu.vector_store %arg12[%swap3A_512, %swap3A_513], %swap3A_516 {strides = array<i32>} : memref<800x32xf32, #tpu.memory_space<vmem>>, vector<1x16xf32>,
          %get3A_517 = arith.index_cast %add3A_500 : i32 to index
          %get3A_518 = arith.constant 16 : index
          %get3A_519 = tpu.vector_load %arg12[%get3A_517, %get3A_518] {strides = array<i32>} : memref<800x32xf32, #tpu.memory_space<vmem>>, vector<1x16xf32>,
          %get3A_520 = vector.shape_cast %get3A_519 : vector<1x16xf32> to vector<16xf32>
          %mul3A_521 = arith.mulf %get3A_520, %gather3A_494 : vector<16xf32>
          %get3A_522 = arith.index_cast %add3A_500 : i32 to index
          %get3A_523 = arith.constant 16 : index
          %get3A_524 = tpu.vector_load %arg13[%get3A_522, %get3A_523] {strides = array<i32>} : memref<800x32xf32, #tpu.memory_space<vmem>>, vector<1x16xf32>,
          %get3A_525 = vector.shape_cast %get3A_524 : vector<1x16xf32> to vector<16xf32>
          %mul3A_526 = arith.mulf %get3A_525, %gather3A_498 : vector<16xf32>
          %add3A_527 = arith.addf %mul3A_521, %mul3A_526 : vector<16xf32>
          %swap3A_528 = arith.index_cast %add3A_500 : i32 to index
          %swap3A_529 = arith.constant 16 : index
          %swap3A_530 = tpu.vector_load %arg12[%swap3A_528, %swap3A_529] {strides = array<i32>} : memref<800x32xf32, #tpu.memory_space<vmem>>, vector<1x16xf32>,
          %swap3A_531 = vector.shape_cast %swap3A_530 : vector<1x16xf32> to vector<16xf32>
          %swap3A_532 = vector.shape_cast %add3A_527 : vector<16xf32> to vector<1x16xf32>
          tpu.vector_store %arg12[%swap3A_528, %swap3A_529], %swap3A_532 {strides = array<i32>} : memref<800x32xf32, #tpu.memory_space<vmem>>, vector<1x16xf32>,
          %broadcast_in_dim3A_533 = arith.constant 4 : i32
          %broadcast_in_dim3A_534 = vector.broadcast %broadcast_in_dim3A_533 : i32 to vector<16x1xi32>
          %gather3A_535 = vector.shape_cast %broadcast_in_dim3A_534 : vector<16x1xi32> to vector<16xi32>
          %gather3A_536 = tpu.dynamic_gather %get3A_364[%gather3A_535] in [0] : vector<16xf32>, vector<16xi32> -> vector<16xf32>
          %broadcast_in_dim3A_537 = arith.constant 4 : i32
          %broadcast_in_dim3A_538 = vector.broadcast %broadcast_in_dim3A_537 : i32 to vector<16x1xi32>
          %gather3A_539 = vector.shape_cast %broadcast_in_dim3A_538 : vector<16x1xi32> to vector<16xi32>
          %gather3A_540 = tpu.dynamic_gather %get3A_367[%gather3A_539] in [0] : vector<16xf32>, vector<16xi32> -> vector<16xf32>
          %add3A_541 = arith.constant 4 : i32
          %add3A_542 = arith.addi %mul3A_361, %add3A_541 : i32
          %get3A_543 = arith.index_cast %add3A_542 : i32 to index
          %get3A_544 = arith.constant 0 : index
          %get3A_545 = tpu.vector_load %arg12[%get3A_543, %get3A_544] {strides = array<i32>} : memref<800x32xf32, #tpu.memory_space<vmem>>, vector<1x16xf32>,
          %get3A_546 = vector.shape_cast %get3A_545 : vector<1x16xf32> to vector<16xf32>
          %mul3A_547 = arith.mulf %get3A_546, %gather3A_536 : vector<16xf32>
          %get3A_548 = arith.index_cast %add3A_542 : i32 to index
          %get3A_549 = arith.constant 0 : index
          %get3A_550 = tpu.vector_load %arg13[%get3A_548, %get3A_549] {strides = array<i32>} : memref<800x32xf32, #tpu.memory_space<vmem>>, vector<1x16xf32>,
          %get3A_551 = vector.shape_cast %get3A_550 : vector<1x16xf32> to vector<16xf32>
          %mul3A_552 = arith.mulf %get3A_551, %gather3A_540 : vector<16xf32>
          %add3A_553 = arith.addf %mul3A_547, %mul3A_552 : vector<16xf32>
          %swap3A_554 = arith.index_cast %add3A_542 : i32 to index
          %swap3A_555 = arith.constant 0 : index
          %swap3A_556 = tpu.vector_load %arg12[%swap3A_554, %swap3A_555] {strides = array<i32>} : memref<800x32xf32, #tpu.memory_space<vmem>>, vector<1x16xf32>,
          %swap3A_557 = vector.shape_cast %swap3A_556 : vector<1x16xf32> to vector<16xf32>
          %swap3A_558 = vector.shape_cast %add3A_553 : vector<16xf32> to vector<1x16xf32>
          tpu.vector_store %arg12[%swap3A_554, %swap3A_555], %swap3A_558 {strides = array<i32>} : memref<800x32xf32, #tpu.memory_space<vmem>>, vector<1x16xf32>,
          %get3A_559 = arith.index_cast %add3A_542 : i32 to index
          %get3A_560 = arith.constant 16 : index
          %get3A_561 = tpu.vector_load %arg12[%get3A_559, %get3A_560] {strides = array<i32>} : memref<800x32xf32, #tpu.memory_space<vmem>>, vector<1x16xf32>,
          %get3A_562 = vector.shape_cast %get3A_561 : vector<1x16xf32> to vector<16xf32>
          %mul3A_563 = arith.mulf %get3A_562, %gather3A_536 : vector<16xf32>
          %get3A_564 = arith.index_cast %add3A_542 : i32 to index
          %get3A_565 = arith.constant 16 : index
          %get3A_566 = tpu.vector_load %arg13[%get3A_564, %get3A_565] {strides = array<i32>} : memref<800x32xf32, #tpu.memory_space<vmem>>, vector<1x16xf32>,
          %get3A_567 = vector.shape_cast %get3A_566 : vector<1x16xf32> to vector<16xf32>
          %mul3A_568 = arith.mulf %get3A_567, %gather3A_540 : vector<16xf32>
          %add3A_569 = arith.addf %mul3A_563, %mul3A_568 : vector<16xf32>
          %swap3A_570 = arith.index_cast %add3A_542 : i32 to index
          %swap3A_571 = arith.constant 16 : index
          %swap3A_572 = tpu.vector_load %arg12[%swap3A_570, %swap3A_571] {strides = array<i32>} : memref<800x32xf32, #tpu.memory_space<vmem>>, vector<1x16xf32>,
          %swap3A_573 = vector.shape_cast %swap3A_572 : vector<1x16xf32> to vector<16xf32>
          %swap3A_574 = vector.shape_cast %add3A_569 : vector<16xf32> to vector<1x16xf32>
          tpu.vector_store %arg12[%swap3A_570, %swap3A_571], %swap3A_574 {strides = array<i32>} : memref<800x32xf32, #tpu.memory_space<vmem>>, vector<1x16xf32>,
          %broadcast_in_dim3A_575 = arith.constant 5 : i32
          %broadcast_in_dim3A_576 = vector.broadcast %broadcast_in_dim3A_575 : i32 to vector<16x1xi32>
          %gather3A_577 = vector.shape_cast %broadcast_in_dim3A_576 : vector<16x1xi32> to vector<16xi32>
          %gather3A_578 = tpu.dynamic_gather %get3A_364[%gather3A_577] in [0] : vector<16xf32>, vector<16xi32> -> vector<16xf32>
          %broadcast_in_dim3A_579 = arith.constant 5 : i32
          %broadcast_in_dim3A_580 = vector.broadcast %broadcast_in_dim3A_579 : i32 to vector<16x1xi32>
          %gather3A_581 = vector.shape_cast %broadcast_in_dim3A_580 : vector<16x1xi32> to vector<16xi32>
          %gather3A_582 = tpu.dynamic_gather %get3A_367[%gather3A_581] in [0] : vector<16xf32>, vector<16xi32> -> vector<16xf32>
          %add3A_583 = arith.constant 5 : i32
          %add3A_584 = arith.addi %mul3A_361, %add3A_583 : i32
          %get3A_585 = arith.index_cast %add3A_584 : i32 to index
          %get3A_586 = arith.constant 0 : index
          %get3A_587 = tpu.vector_load %arg12[%get3A_585, %get3A_586] {strides = array<i32>} : memref<800x32xf32, #tpu.memory_space<vmem>>, vector<1x16xf32>,
          %get3A_588 = vector.shape_cast %get3A_587 : vector<1x16xf32> to vector<16xf32>
          %mul3A_589 = arith.mulf %get3A_588, %gather3A_578 : vector<16xf32>
          %get3A_590 = arith.index_cast %add3A_584 : i32 to index
          %get3A_591 = arith.constant 0 : index
          %get3A_592 = tpu.vector_load %arg13[%get3A_590, %get3A_591] {strides = array<i32>} : memref<800x32xf32, #tpu.memory_space<vmem>>, vector<1x16xf32>,
          %get3A_593 = vector.shape_cast %get3A_592 : vector<1x16xf32> to vector<16xf32>
          %mul3A_594 = arith.mulf %get3A_593, %gather3A_582 : vector<16xf32>
          %add3A_595 = arith.addf %mul3A_589, %mul3A_594 : vector<16xf32>
          %swap3A_596 = arith.index_cast %add3A_584 : i32 to index
          %swap3A_597 = arith.constant 0 : index
          %swap3A_598 = tpu.vector_load %arg12[%swap3A_596, %swap3A_597] {strides = array<i32>} : memref<800x32xf32, #tpu.memory_space<vmem>>, vector<1x16xf32>,
          %swap3A_599 = vector.shape_cast %swap3A_598 : vector<1x16xf32> to vector<16xf32>
          %swap3A_600 = vector.shape_cast %add3A_595 : vector<16xf32> to vector<1x16xf32>
          tpu.vector_store %arg12[%swap3A_596, %swap3A_597], %swap3A_600 {strides = array<i32>} : memref<800x32xf32, #tpu.memory_space<vmem>>, vector<1x16xf32>,
          %get3A_601 = arith.index_cast %add3A_584 : i32 to index
          %get3A_602 = arith.constant 16 : index
          %get3A_603 = tpu.vector_load %arg12[%get3A_601, %get3A_602] {strides = array<i32>} : memref<800x32xf32, #tpu.memory_space<vmem>>, vector<1x16xf32>,
          %get3A_604 = vector.shape_cast %get3A_603 : vector<1x16xf32> to vector<16xf32>
          %mul3A_605 = arith.mulf %get3A_604, %gather3A_578 : vector<16xf32>
          %get3A_606 = arith.index_cast %add3A_584 : i32 to index
          %get3A_607 = arith.constant 16 : index
          %get3A_608 = tpu.vector_load %arg13[%get3A_606, %get3A_607] {strides = array<i32>} : memref<800x32xf32, #tpu.memory_space<vmem>>, vector<1x16xf32>,
          %get3A_609 = vector.shape_cast %get3A_608 : vector<1x16xf32> to vector<16xf32>
          %mul3A_610 = arith.mulf %get3A_609, %gather3A_582 : vector<16xf32>
          %add3A_611 = arith.addf %mul3A_605, %mul3A_610 : vector<16xf32>
          %swap3A_612 = arith.index_cast %add3A_584 : i32 to index
          %swap3A_613 = arith.constant 16 : index
          %swap3A_614 = tpu.vector_load %arg12[%swap3A_612, %swap3A_613] {strides = array<i32>} : memref<800x32xf32, #tpu.memory_space<vmem>>, vector<1x16xf32>,
          %swap3A_615 = vector.shape_cast %swap3A_614 : vector<1x16xf32> to vector<16xf32>
          %swap3A_616 = vector.shape_cast %add3A_611 : vector<16xf32> to vector<1x16xf32>
          tpu.vector_store %arg12[%swap3A_612, %swap3A_613], %swap3A_616 {strides = array<i32>} : memref<800x32xf32, #tpu.memory_space<vmem>>, vector<1x16xf32>,
          %broadcast_in_dim3A_617 = arith.constant 6 : i32
          %broadcast_in_dim3A_618 = vector.broadcast %broadcast_in_dim3A_617 : i32 to vector<16x1xi32>
          %gather3A_619 = vector.shape_cast %broadcast_in_dim3A_618 : vector<16x1xi32> to vector<16xi32>
          %gather3A_620 = tpu.dynamic_gather %get3A_364[%gather3A_619] in [0] : vector<16xf32>, vector<16xi32> -> vector<16xf32>
          %broadcast_in_dim3A_621 = arith.constant 6 : i32
          %broadcast_in_dim3A_622 = vector.broadcast %broadcast_in_dim3A_621 : i32 to vector<16x1xi32>
          %gather3A_623 = vector.shape_cast %broadcast_in_dim3A_622 : vector<16x1xi32> to vector<16xi32>
          %gather3A_624 = tpu.dynamic_gather %get3A_367[%gather3A_623] in [0] : vector<16xf32>, vector<16xi32> -> vector<16xf32>
          %add3A_625 = arith.constant 6 : i32
          %add3A_626 = arith.addi %mul3A_361, %add3A_625 : i32
          %get3A_627 = arith.index_cast %add3A_626 : i32 to index
          %get3A_628 = arith.constant 0 : index
          %get3A_629 = tpu.vector_load %arg12[%get3A_627, %get3A_628] {strides = array<i32>} : memref<800x32xf32, #tpu.memory_space<vmem>>, vector<1x16xf32>,
          %get3A_630 = vector.shape_cast %get3A_629 : vector<1x16xf32> to vector<16xf32>
          %mul3A_631 = arith.mulf %get3A_630, %gather3A_620 : vector<16xf32>
          %get3A_632 = arith.index_cast %add3A_626 : i32 to index
          %get3A_633 = arith.constant 0 : index
          %get3A_634 = tpu.vector_load %arg13[%get3A_632, %get3A_633] {strides = array<i32>} : memref<800x32xf32, #tpu.memory_space<vmem>>, vector<1x16xf32>,
          %get3A_635 = vector.shape_cast %get3A_634 : vector<1x16xf32> to vector<16xf32>
          %mul3A_636 = arith.mulf %get3A_635, %gather3A_624 : vector<16xf32>
          %add3A_637 = arith.addf %mul3A_631, %mul3A_636 : vector<16xf32>
          %swap3A_638 = arith.index_cast %add3A_626 : i32 to index
          %swap3A_639 = arith.constant 0 : index
          %swap3A_640 = tpu.vector_load %arg12[%swap3A_638, %swap3A_639] {strides = array<i32>} : memref<800x32xf32, #tpu.memory_space<vmem>>, vector<1x16xf32>,
          %swap3A_641 = vector.shape_cast %swap3A_640 : vector<1x16xf32> to vector<16xf32>
          %swap3A_642 = vector.shape_cast %add3A_637 : vector<16xf32> to vector<1x16xf32>
          tpu.vector_store %arg12[%swap3A_638, %swap3A_639], %swap3A_642 {strides = array<i32>} : memref<800x32xf32, #tpu.memory_space<vmem>>, vector<1x16xf32>,
          %get3A_643 = arith.index_cast %add3A_626 : i32 to index
          %get3A_644 = arith.constant 16 : index
          %get3A_645 = tpu.vector_load %arg12[%get3A_643, %get3A_644] {strides = array<i32>} : memref<800x32xf32, #tpu.memory_space<vmem>>, vector<1x16xf32>,
          %get3A_646 = vector.shape_cast %get3A_645 : vector<1x16xf32> to vector<16xf32>
          %mul3A_647 = arith.mulf %get3A_646, %gather3A_620 : vector<16xf32>
          %get3A_648 = arith.index_cast %add3A_626 : i32 to index
          %get3A_649 = arith.constant 16 : index
          %get3A_650 = tpu.vector_load %arg13[%get3A_648, %get3A_649] {strides = array<i32>} : memref<800x32xf32, #tpu.memory_space<vmem>>, vector<1x16xf32>,
          %get3A_651 = vector.shape_cast %get3A_650 : vector<1x16xf32> to vector<16xf32>
          %mul3A_652 = arith.mulf %get3A_651, %gather3A_624 : vector<16xf32>
          %add3A_653 = arith.addf %mul3A_647, %mul3A_652 : vector<16xf32>
          %swap3A_654 = arith.index_cast %add3A_626 : i32 to index
          %swap3A_655 = arith.constant 16 : index
          %swap3A_656 = tpu.vector_load %arg12[%swap3A_654, %swap3A_655] {strides = array<i32>} : memref<800x32xf32, #tpu.memory_space<vmem>>, vector<1x16xf32>,
          %swap3A_657 = vector.shape_cast %swap3A_656 : vector<1x16xf32> to vector<16xf32>
          %swap3A_658 = vector.shape_cast %add3A_653 : vector<16xf32> to vector<1x16xf32>
          tpu.vector_store %arg12[%swap3A_654, %swap3A_655], %swap3A_658 {strides = array<i32>} : memref<800x32xf32, #tpu.memory_space<vmem>>, vector<1x16xf32>,
          %broadcast_in_dim3A_659 = arith.constant 7 : i32
          %broadcast_in_dim3A_660 = vector.broadcast %broadcast_in_dim3A_659 : i32 to vector<16x1xi32>
          %gather3A_661 = vector.shape_cast %broadcast_in_dim3A_660 : vector<16x1xi32> to vector<16xi32>
          %gather3A_662 = tpu.dynamic_gather %get3A_364[%gather3A_661] in [0] : vector<16xf32>, vector<16xi32> -> vector<16xf32>
          %broadcast_in_dim3A_663 = arith.constant 7 : i32
          %broadcast_in_dim3A_664 = vector.broadcast %broadcast_in_dim3A_663 : i32 to vector<16x1xi32>
          %gather3A_665 = vector.shape_cast %broadcast_in_dim3A_664 : vector<16x1xi32> to vector<16xi32>
          %gather3A_666 = tpu.dynamic_gather %get3A_367[%gather3A_665] in [0] : vector<16xf32>, vector<16xi32> -> vector<16xf32>
          %add3A_667 = arith.constant 7 : i32
          %add3A_668 = arith.addi %mul3A_361, %add3A_667 : i32
          %get3A_669 = arith.index_cast %add3A_668 : i32 to index
          %get3A_670 = arith.constant 0 : index
          %get3A_671 = tpu.vector_load %arg12[%get3A_669, %get3A_670] {strides = array<i32>} : memref<800x32xf32, #tpu.memory_space<vmem>>, vector<1x16xf32>,
          %get3A_672 = vector.shape_cast %get3A_671 : vector<1x16xf32> to vector<16xf32>
          %mul3A_673 = arith.mulf %get3A_672, %gather3A_662 : vector<16xf32>
          %get3A_674 = arith.index_cast %add3A_668 : i32 to index
          %get3A_675 = arith.constant 0 : index
          %get3A_676 = tpu.vector_load %arg13[%get3A_674, %get3A_675] {strides = array<i32>} : memref<800x32xf32, #tpu.memory_space<vmem>>, vector<1x16xf32>,
          %get3A_677 = vector.shape_cast %get3A_676 : vector<1x16xf32> to vector<16xf32>
          %mul3A_678 = arith.mulf %get3A_677, %gather3A_666 : vector<16xf32>
          %add3A_679 = arith.addf %mul3A_673, %mul3A_678 : vector<16xf32>
          %swap3A_680 = arith.index_cast %add3A_668 : i32 to index
          %swap3A_681 = arith.constant 0 : index
          %swap3A_682 = tpu.vector_load %arg12[%swap3A_680, %swap3A_681] {strides = array<i32>} : memref<800x32xf32, #tpu.memory_space<vmem>>, vector<1x16xf32>,
          %swap3A_683 = vector.shape_cast %swap3A_682 : vector<1x16xf32> to vector<16xf32>
          %swap3A_684 = vector.shape_cast %add3A_679 : vector<16xf32> to vector<1x16xf32>
          tpu.vector_store %arg12[%swap3A_680, %swap3A_681], %swap3A_684 {strides = array<i32>} : memref<800x32xf32, #tpu.memory_space<vmem>>, vector<1x16xf32>,
          %get3A_685 = arith.index_cast %add3A_668 : i32 to index
          %get3A_686 = arith.constant 16 : index
          %get3A_687 = tpu.vector_load %arg12[%get3A_685, %get3A_686] {strides = array<i32>} : memref<800x32xf32, #tpu.memory_space<vmem>>, vector<1x16xf32>,
          %get3A_688 = vector.shape_cast %get3A_687 : vector<1x16xf32> to vector<16xf32>
          %mul3A_689 = arith.mulf %get3A_688, %gather3A_662 : vector<16xf32>
          %get3A_690 = arith.index_cast %add3A_668 : i32 to index
          %get3A_691 = arith.constant 16 : index
          %get3A_692 = tpu.vector_load %arg13[%get3A_690, %get3A_691] {strides = array<i32>} : memref<800x32xf32, #tpu.memory_space<vmem>>, vector<1x16xf32>,
          %get3A_693 = vector.shape_cast %get3A_692 : vector<1x16xf32> to vector<16xf32>
          %mul3A_694 = arith.mulf %get3A_693, %gather3A_666 : vector<16xf32>
          %add3A_695 = arith.addf %mul3A_689, %mul3A_694 : vector<16xf32>
          %swap3A_696 = arith.index_cast %add3A_668 : i32 to index
          %swap3A_697 = arith.constant 16 : index
          %swap3A_698 = tpu.vector_load %arg12[%swap3A_696, %swap3A_697] {strides = array<i32>} : memref<800x32xf32, #tpu.memory_space<vmem>>, vector<1x16xf32>,
          %swap3A_699 = vector.shape_cast %swap3A_698 : vector<1x16xf32> to vector<16xf32>
          %swap3A_700 = vector.shape_cast %add3A_695 : vector<16xf32> to vector<1x16xf32>
          tpu.vector_store %arg12[%swap3A_696, %swap3A_697], %swap3A_700 {strides = array<i32>} : memref<800x32xf32, #tpu.memory_space<vmem>>, vector<1x16xf32>,
          %broadcast_in_dim3A_701 = arith.constant 8 : i32
          %broadcast_in_dim3A_702 = vector.broadcast %broadcast_in_dim3A_701 : i32 to vector<16x1xi32>
          %gather3A_703 = vector.shape_cast %broadcast_in_dim3A_702 : vector<16x1xi32> to vector<16xi32>
          %gather3A_704 = tpu.dynamic_gather %get3A_364[%gather3A_703] in [0] : vector<16xf32>, vector<16xi32> -> vector<16xf32>
          %broadcast_in_dim3A_705 = arith.constant 8 : i32
          %broadcast_in_dim3A_706 = vector.broadcast %broadcast_in_dim3A_705 : i32 to vector<16x1xi32>
          %gather3A_707 = vector.shape_cast %broadcast_in_dim3A_706 : vector<16x1xi32> to vector<16xi32>
          %gather3A_708 = tpu.dynamic_gather %get3A_367[%gather3A_707] in [0] : vector<16xf32>, vector<16xi32> -> vector<16xf32>
          %add3A_709 = arith.constant 8 : i32
          %add3A_710 = arith.addi %mul3A_361, %add3A_709 : i32
          %get3A_711 = arith.index_cast %add3A_710 : i32 to index
          %get3A_712 = arith.constant 0 : index
          %get3A_713 = tpu.vector_load %arg12[%get3A_711, %get3A_712] {strides = array<i32>} : memref<800x32xf32, #tpu.memory_space<vmem>>, vector<1x16xf32>,
          %get3A_714 = vector.shape_cast %get3A_713 : vector<1x16xf32> to vector<16xf32>
          %mul3A_715 = arith.mulf %get3A_714, %gather3A_704 : vector<16xf32>
          %get3A_716 = arith.index_cast %add3A_710 : i32 to index
          %get3A_717 = arith.constant 0 : index
          %get3A_718 = tpu.vector_load %arg13[%get3A_716, %get3A_717] {strides = array<i32>} : memref<800x32xf32, #tpu.memory_space<vmem>>, vector<1x16xf32>,
          %get3A_719 = vector.shape_cast %get3A_718 : vector<1x16xf32> to vector<16xf32>
          %mul3A_720 = arith.mulf %get3A_719, %gather3A_708 : vector<16xf32>
          %add3A_721 = arith.addf %mul3A_715, %mul3A_720 : vector<16xf32>
          %swap3A_722 = arith.index_cast %add3A_710 : i32 to index
          %swap3A_723 = arith.constant 0 : index
          %swap3A_724 = tpu.vector_load %arg12[%swap3A_722, %swap3A_723] {strides = array<i32>} : memref<800x32xf32, #tpu.memory_space<vmem>>, vector<1x16xf32>,
          %swap3A_725 = vector.shape_cast %swap3A_724 : vector<1x16xf32> to vector<16xf32>
          %swap3A_726 = vector.shape_cast %add3A_721 : vector<16xf32> to vector<1x16xf32>
          tpu.vector_store %arg12[%swap3A_722, %swap3A_723], %swap3A_726 {strides = array<i32>} : memref<800x32xf32, #tpu.memory_space<vmem>>, vector<1x16xf32>,
          %get3A_727 = arith.index_cast %add3A_710 : i32 to index
          %get3A_728 = arith.constant 16 : index
          %get3A_729 = tpu.vector_load %arg12[%get3A_727, %get3A_728] {strides = array<i32>} : memref<800x32xf32, #tpu.memory_space<vmem>>, vector<1x16xf32>,
          %get3A_730 = vector.shape_cast %get3A_729 : vector<1x16xf32> to vector<16xf32>
          %mul3A_731 = arith.mulf %get3A_730, %gather3A_704 : vector<16xf32>
          %get3A_732 = arith.index_cast %add3A_710 : i32 to index
          %get3A_733 = arith.constant 16 : index
          %get3A_734 = tpu.vector_load %arg13[%get3A_732, %get3A_733] {strides = array<i32>} : memref<800x32xf32, #tpu.memory_space<vmem>>, vector<1x16xf32>,
          %get3A_735 = vector.shape_cast %get3A_734 : vector<1x16xf32> to vector<16xf32>
          %mul3A_736 = arith.mulf %get3A_735, %gather3A_708 : vector<16xf32>
          %add3A_737 = arith.addf %mul3A_731, %mul3A_736 : vector<16xf32>
          %swap3A_738 = arith.index_cast %add3A_710 : i32 to index
          %swap3A_739 = arith.constant 16 : index
          %swap3A_740 = tpu.vector_load %arg12[%swap3A_738, %swap3A_739] {strides = array<i32>} : memref<800x32xf32, #tpu.memory_space<vmem>>, vector<1x16xf32>,
          %swap3A_741 = vector.shape_cast %swap3A_740 : vector<1x16xf32> to vector<16xf32>
          %swap3A_742 = vector.shape_cast %add3A_737 : vector<16xf32> to vector<1x16xf32>
          tpu.vector_store %arg12[%swap3A_738, %swap3A_739], %swap3A_742 {strides = array<i32>} : memref<800x32xf32, #tpu.memory_space<vmem>>, vector<1x16xf32>,
          %broadcast_in_dim3A_743 = arith.constant 9 : i32
          %broadcast_in_dim3A_744 = vector.broadcast %broadcast_in_dim3A_743 : i32 to vector<16x1xi32>
          %gather3A_745 = vector.shape_cast %broadcast_in_dim3A_744 : vector<16x1xi32> to vector<16xi32>
          %gather3A_746 = tpu.dynamic_gather %get3A_364[%gather3A_745] in [0] : vector<16xf32>, vector<16xi32> -> vector<16xf32>
          %broadcast_in_dim3A_747 = arith.constant 9 : i32
          %broadcast_in_dim3A_748 = vector.broadcast %broadcast_in_dim3A_747 : i32 to vector<16x1xi32>
          %gather3A_749 = vector.shape_cast %broadcast_in_dim3A_748 : vector<16x1xi32> to vector<16xi32>
          %gather3A_750 = tpu.dynamic_gather %get3A_367[%gather3A_749] in [0] : vector<16xf32>, vector<16xi32> -> vector<16xf32>
          %add3A_751 = arith.constant 9 : i32
          %add3A_752 = arith.addi %mul3A_361, %add3A_751 : i32
          %get3A_753 = arith.index_cast %add3A_752 : i32 to index
          %get3A_754 = arith.constant 0 : index
          %get3A_755 = tpu.vector_load %arg12[%get3A_753, %get3A_754] {strides = array<i32>} : memref<800x32xf32, #tpu.memory_space<vmem>>, vector<1x16xf32>,
          %get3A_756 = vector.shape_cast %get3A_755 : vector<1x16xf32> to vector<16xf32>
          %mul3A_757 = arith.mulf %get3A_756, %gather3A_746 : vector<16xf32>
          %get3A_758 = arith.index_cast %add3A_752 : i32 to index
          %get3A_759 = arith.constant 0 : index
          %get3A_760 = tpu.vector_load %arg13[%get3A_758, %get3A_759] {strides = array<i32>} : memref<800x32xf32, #tpu.memory_space<vmem>>, vector<1x16xf32>,
          %get3A_761 = vector.shape_cast %get3A_760 : vector<1x16xf32> to vector<16xf32>
          %mul3A_762 = arith.mulf %get3A_761, %gather3A_750 : vector<16xf32>
          %add3A_763 = arith.addf %mul3A_757, %mul3A_762 : vector<16xf32>
          %swap3A_764 = arith.index_cast %add3A_752 : i32 to index
          %swap3A_765 = arith.constant 0 : index
          %swap3A_766 = tpu.vector_load %arg12[%swap3A_764, %swap3A_765] {strides = array<i32>} : memref<800x32xf32, #tpu.memory_space<vmem>>, vector<1x16xf32>,
          %swap3A_767 = vector.shape_cast %swap3A_766 : vector<1x16xf32> to vector<16xf32>
          %swap3A_768 = vector.shape_cast %add3A_763 : vector<16xf32> to vector<1x16xf32>
          tpu.vector_store %arg12[%swap3A_764, %swap3A_765], %swap3A_768 {strides = array<i32>} : memref<800x32xf32, #tpu.memory_space<vmem>>, vector<1x16xf32>,
          %get3A_769 = arith.index_cast %add3A_752 : i32 to index
          %get3A_770 = arith.constant 16 : index
          %get3A_771 = tpu.vector_load %arg12[%get3A_769, %get3A_770] {strides = array<i32>} : memref<800x32xf32, #tpu.memory_space<vmem>>, vector<1x16xf32>,
          %get3A_772 = vector.shape_cast %get3A_771 : vector<1x16xf32> to vector<16xf32>
          %mul3A_773 = arith.mulf %get3A_772, %gather3A_746 : vector<16xf32>
          %get3A_774 = arith.index_cast %add3A_752 : i32 to index
          %get3A_775 = arith.constant 16 : index
          %get3A_776 = tpu.vector_load %arg13[%get3A_774, %get3A_775] {strides = array<i32>} : memref<800x32xf32, #tpu.memory_space<vmem>>, vector<1x16xf32>,
          %get3A_777 = vector.shape_cast %get3A_776 : vector<1x16xf32> to vector<16xf32>
          %mul3A_778 = arith.mulf %get3A_777, %gather3A_750 : vector<16xf32>
          %add3A_779 = arith.addf %mul3A_773, %mul3A_778 : vector<16xf32>
          %swap3A_780 = arith.index_cast %add3A_752 : i32 to index
          %swap3A_781 = arith.constant 16 : index
          %swap3A_782 = tpu.vector_load %arg12[%swap3A_780, %swap3A_781] {strides = array<i32>} : memref<800x32xf32, #tpu.memory_space<vmem>>, vector<1x16xf32>,
          %swap3A_783 = vector.shape_cast %swap3A_782 : vector<1x16xf32> to vector<16xf32>
          %swap3A_784 = vector.shape_cast %add3A_779 : vector<16xf32> to vector<1x16xf32>
          tpu.vector_store %arg12[%swap3A_780, %swap3A_781], %swap3A_784 {strides = array<i32>} : memref<800x32xf32, #tpu.memory_space<vmem>>, vector<1x16xf32>,
          %broadcast_in_dim3A_785 = arith.constant 10 : i32
          %broadcast_in_dim3A_786 = vector.broadcast %broadcast_in_dim3A_785 : i32 to vector<16x1xi32>
          %gather3A_787 = vector.shape_cast %broadcast_in_dim3A_786 : vector<16x1xi32> to vector<16xi32>
          %gather3A_788 = tpu.dynamic_gather %get3A_364[%gather3A_787] in [0] : vector<16xf32>, vector<16xi32> -> vector<16xf32>
          %broadcast_in_dim3A_789 = arith.constant 10 : i32
          %broadcast_in_dim3A_790 = vector.broadcast %broadcast_in_dim3A_789 : i32 to vector<16x1xi32>
          %gather3A_791 = vector.shape_cast %broadcast_in_dim3A_790 : vector<16x1xi32> to vector<16xi32>
          %gather3A_792 = tpu.dynamic_gather %get3A_367[%gather3A_791] in [0] : vector<16xf32>, vector<16xi32> -> vector<16xf32>
          %add3A_793 = arith.constant 10 : i32
          %add3A_794 = arith.addi %mul3A_361, %add3A_793 : i32
          %get3A_795 = arith.index_cast %add3A_794 : i32 to index
          %get3A_796 = arith.constant 0 : index
          %get3A_797 = tpu.vector_load %arg12[%get3A_795, %get3A_796] {strides = array<i32>} : memref<800x32xf32, #tpu.memory_space<vmem>>, vector<1x16xf32>,
          %get3A_798 = vector.shape_cast %get3A_797 : vector<1x16xf32> to vector<16xf32>
          %mul3A_799 = arith.mulf %get3A_798, %gather3A_788 : vector<16xf32>
          %get3A_800 = arith.index_cast %add3A_794 : i32 to index
          %get3A_801 = arith.constant 0 : index
          %get3A_802 = tpu.vector_load %arg13[%get3A_800, %get3A_801] {strides = array<i32>} : memref<800x32xf32, #tpu.memory_space<vmem>>, vector<1x16xf32>,
          %get3A_803 = vector.shape_cast %get3A_802 : vector<1x16xf32> to vector<16xf32>
          %mul3A_804 = arith.mulf %get3A_803, %gather3A_792 : vector<16xf32>
          %add3A_805 = arith.addf %mul3A_799, %mul3A_804 : vector<16xf32>
          %swap3A_806 = arith.index_cast %add3A_794 : i32 to index
          %swap3A_807 = arith.constant 0 : index
          %swap3A_808 = tpu.vector_load %arg12[%swap3A_806, %swap3A_807] {strides = array<i32>} : memref<800x32xf32, #tpu.memory_space<vmem>>, vector<1x16xf32>,
          %swap3A_809 = vector.shape_cast %swap3A_808 : vector<1x16xf32> to vector<16xf32>
          %swap3A_810 = vector.shape_cast %add3A_805 : vector<16xf32> to vector<1x16xf32>
          tpu.vector_store %arg12[%swap3A_806, %swap3A_807], %swap3A_810 {strides = array<i32>} : memref<800x32xf32, #tpu.memory_space<vmem>>, vector<1x16xf32>,
          %get3A_811 = arith.index_cast %add3A_794 : i32 to index
          %get3A_812 = arith.constant 16 : index
          %get3A_813 = tpu.vector_load %arg12[%get3A_811, %get3A_812] {strides = array<i32>} : memref<800x32xf32, #tpu.memory_space<vmem>>, vector<1x16xf32>,
          %get3A_814 = vector.shape_cast %get3A_813 : vector<1x16xf32> to vector<16xf32>
          %mul3A_815 = arith.mulf %get3A_814, %gather3A_788 : vector<16xf32>
          %get3A_816 = arith.index_cast %add3A_794 : i32 to index
          %get3A_817 = arith.constant 16 : index
          %get3A_818 = tpu.vector_load %arg13[%get3A_816, %get3A_817] {strides = array<i32>} : memref<800x32xf32, #tpu.memory_space<vmem>>, vector<1x16xf32>,
          %get3A_819 = vector.shape_cast %get3A_818 : vector<1x16xf32> to vector<16xf32>
          %mul3A_820 = arith.mulf %get3A_819, %gather3A_792 : vector<16xf32>
          %add3A_821 = arith.addf %mul3A_815, %mul3A_820 : vector<16xf32>
          %swap3A_822 = arith.index_cast %add3A_794 : i32 to index
          %swap3A_823 = arith.constant 16 : index
          %swap3A_824 = tpu.vector_load %arg12[%swap3A_822, %swap3A_823] {strides = array<i32>} : memref<800x32xf32, #tpu.memory_space<vmem>>, vector<1x16xf32>,
          %swap3A_825 = vector.shape_cast %swap3A_824 : vector<1x16xf32> to vector<16xf32>
          %swap3A_826 = vector.shape_cast %add3A_821 : vector<16xf32> to vector<1x16xf32>
          tpu.vector_store %arg12[%swap3A_822, %swap3A_823], %swap3A_826 {strides = array<i32>} : memref<800x32xf32, #tpu.memory_space<vmem>>, vector<1x16xf32>,
          %broadcast_in_dim3A_827 = arith.constant 11 : i32
          %broadcast_in_dim3A_828 = vector.broadcast %broadcast_in_dim3A_827 : i32 to vector<16x1xi32>
          %gather3A_829 = vector.shape_cast %broadcast_in_dim3A_828 : vector<16x1xi32> to vector<16xi32>
          %gather3A_830 = tpu.dynamic_gather %get3A_364[%gather3A_829] in [0] : vector<16xf32>, vector<16xi32> -> vector<16xf32>
          %broadcast_in_dim3A_831 = arith.constant 11 : i32
          %broadcast_in_dim3A_832 = vector.broadcast %broadcast_in_dim3A_831 : i32 to vector<16x1xi32>
          %gather3A_833 = vector.shape_cast %broadcast_in_dim3A_832 : vector<16x1xi32> to vector<16xi32>
          %gather3A_834 = tpu.dynamic_gather %get3A_367[%gather3A_833] in [0] : vector<16xf32>, vector<16xi32> -> vector<16xf32>
          %add3A_835 = arith.constant 11 : i32
          %add3A_836 = arith.addi %mul3A_361, %add3A_835 : i32
          %get3A_837 = arith.index_cast %add3A_836 : i32 to index
          %get3A_838 = arith.constant 0 : index
          %get3A_839 = tpu.vector_load %arg12[%get3A_837, %get3A_838] {strides = array<i32>} : memref<800x32xf32, #tpu.memory_space<vmem>>, vector<1x16xf32>,
          %get3A_840 = vector.shape_cast %get3A_839 : vector<1x16xf32> to vector<16xf32>
          %mul3A_841 = arith.mulf %get3A_840, %gather3A_830 : vector<16xf32>
          %get3A_842 = arith.index_cast %add3A_836 : i32 to index
          %get3A_843 = arith.constant 0 : index
          %get3A_844 = tpu.vector_load %arg13[%get3A_842, %get3A_843] {strides = array<i32>} : memref<800x32xf32, #tpu.memory_space<vmem>>, vector<1x16xf32>,
          %get3A_845 = vector.shape_cast %get3A_844 : vector<1x16xf32> to vector<16xf32>
          %mul3A_846 = arith.mulf %get3A_845, %gather3A_834 : vector<16xf32>
          %add3A_847 = arith.addf %mul3A_841, %mul3A_846 : vector<16xf32>
          %swap3A_848 = arith.index_cast %add3A_836 : i32 to index
          %swap3A_849 = arith.constant 0 : index
          %swap3A_850 = tpu.vector_load %arg12[%swap3A_848, %swap3A_849] {strides = array<i32>} : memref<800x32xf32, #tpu.memory_space<vmem>>, vector<1x16xf32>,
          %swap3A_851 = vector.shape_cast %swap3A_850 : vector<1x16xf32> to vector<16xf32>
          %swap3A_852 = vector.shape_cast %add3A_847 : vector<16xf32> to vector<1x16xf32>
          tpu.vector_store %arg12[%swap3A_848, %swap3A_849], %swap3A_852 {strides = array<i32>} : memref<800x32xf32, #tpu.memory_space<vmem>>, vector<1x16xf32>,
          %get3A_853 = arith.index_cast %add3A_836 : i32 to index
          %get3A_854 = arith.constant 16 : index
          %get3A_855 = tpu.vector_load %arg12[%get3A_853, %get3A_854] {strides = array<i32>} : memref<800x32xf32, #tpu.memory_space<vmem>>, vector<1x16xf32>,
          %get3A_856 = vector.shape_cast %get3A_855 : vector<1x16xf32> to vector<16xf32>
          %mul3A_857 = arith.mulf %get3A_856, %gather3A_830 : vector<16xf32>
          %get3A_858 = arith.index_cast %add3A_836 : i32 to index
          %get3A_859 = arith.constant 16 : index
          %get3A_860 = tpu.vector_load %arg13[%get3A_858, %get3A_859] {strides = array<i32>} : memref<800x32xf32, #tpu.memory_space<vmem>>, vector<1x16xf32>,
          %get3A_861 = vector.shape_cast %get3A_860 : vector<1x16xf32> to vector<16xf32>
          %mul3A_862 = arith.mulf %get3A_861, %gather3A_834 : vector<16xf32>
          %add3A_863 = arith.addf %mul3A_857, %mul3A_862 : vector<16xf32>
          %swap3A_864 = arith.index_cast %add3A_836 : i32 to index
          %swap3A_865 = arith.constant 16 : index
          %swap3A_866 = tpu.vector_load %arg12[%swap3A_864, %swap3A_865] {strides = array<i32>} : memref<800x32xf32, #tpu.memory_space<vmem>>, vector<1x16xf32>,
          %swap3A_867 = vector.shape_cast %swap3A_866 : vector<1x16xf32> to vector<16xf32>
          %swap3A_868 = vector.shape_cast %add3A_863 : vector<16xf32> to vector<1x16xf32>
          tpu.vector_store %arg12[%swap3A_864, %swap3A_865], %swap3A_868 {strides = array<i32>} : memref<800x32xf32, #tpu.memory_space<vmem>>, vector<1x16xf32>,
          %broadcast_in_dim3A_869 = arith.constant 12 : i32
          %broadcast_in_dim3A_870 = vector.broadcast %broadcast_in_dim3A_869 : i32 to vector<16x1xi32>
          %gather3A_871 = vector.shape_cast %broadcast_in_dim3A_870 : vector<16x1xi32> to vector<16xi32>
          %gather3A_872 = tpu.dynamic_gather %get3A_364[%gather3A_871] in [0] : vector<16xf32>, vector<16xi32> -> vector<16xf32>
          %broadcast_in_dim3A_873 = arith.constant 12 : i32
          %broadcast_in_dim3A_874 = vector.broadcast %broadcast_in_dim3A_873 : i32 to vector<16x1xi32>
          %gather3A_875 = vector.shape_cast %broadcast_in_dim3A_874 : vector<16x1xi32> to vector<16xi32>
          %gather3A_876 = tpu.dynamic_gather %get3A_367[%gather3A_875] in [0] : vector<16xf32>, vector<16xi32> -> vector<16xf32>
          %add3A_877 = arith.constant 12 : i32
          %add3A_878 = arith.addi %mul3A_361, %add3A_877 : i32
          %get3A_879 = arith.index_cast %add3A_878 : i32 to index
          %get3A_880 = arith.constant 0 : index
          %get3A_881 = tpu.vector_load %arg12[%get3A_879, %get3A_880] {strides = array<i32>} : memref<800x32xf32, #tpu.memory_space<vmem>>, vector<1x16xf32>,
          %get3A_882 = vector.shape_cast %get3A_881 : vector<1x16xf32> to vector<16xf32>
          %mul3A_883 = arith.mulf %get3A_882, %gather3A_872 : vector<16xf32>
          %get3A_884 = arith.index_cast %add3A_878 : i32 to index
          %get3A_885 = arith.constant 0 : index
          %get3A_886 = tpu.vector_load %arg13[%get3A_884, %get3A_885] {strides = array<i32>} : memref<800x32xf32, #tpu.memory_space<vmem>>, vector<1x16xf32>,
          %get3A_887 = vector.shape_cast %get3A_886 : vector<1x16xf32> to vector<16xf32>
          %mul3A_888 = arith.mulf %get3A_887, %gather3A_876 : vector<16xf32>
          %add3A_889 = arith.addf %mul3A_883, %mul3A_888 : vector<16xf32>
          %swap3A_890 = arith.index_cast %add3A_878 : i32 to index
          %swap3A_891 = arith.constant 0 : index
          %swap3A_892 = tpu.vector_load %arg12[%swap3A_890, %swap3A_891] {strides = array<i32>} : memref<800x32xf32, #tpu.memory_space<vmem>>, vector<1x16xf32>,
          %swap3A_893 = vector.shape_cast %swap3A_892 : vector<1x16xf32> to vector<16xf32>
          %swap3A_894 = vector.shape_cast %add3A_889 : vector<16xf32> to vector<1x16xf32>
          tpu.vector_store %arg12[%swap3A_890, %swap3A_891], %swap3A_894 {strides = array<i32>} : memref<800x32xf32, #tpu.memory_space<vmem>>, vector<1x16xf32>,
          %get3A_895 = arith.index_cast %add3A_878 : i32 to index
          %get3A_896 = arith.constant 16 : index
          %get3A_897 = tpu.vector_load %arg12[%get3A_895, %get3A_896] {strides = array<i32>} : memref<800x32xf32, #tpu.memory_space<vmem>>, vector<1x16xf32>,
          %get3A_898 = vector.shape_cast %get3A_897 : vector<1x16xf32> to vector<16xf32>
          %mul3A_899 = arith.mulf %get3A_898, %gather3A_872 : vector<16xf32>
          %get3A_900 = arith.index_cast %add3A_878 : i32 to index
          %get3A_901 = arith.constant 16 : index
          %get3A_902 = tpu.vector_load %arg13[%get3A_900, %get3A_901] {strides = array<i32>} : memref<800x32xf32, #tpu.memory_space<vmem>>, vector<1x16xf32>,
          %get3A_903 = vector.shape_cast %get3A_902 : vector<1x16xf32> to vector<16xf32>
          %mul3A_904 = arith.mulf %get3A_903, %gather3A_876 : vector<16xf32>
          %add3A_905 = arith.addf %mul3A_899, %mul3A_904 : vector<16xf32>
          %swap3A_906 = arith.index_cast %add3A_878 : i32 to index
          %swap3A_907 = arith.constant 16 : index
          %swap3A_908 = tpu.vector_load %arg12[%swap3A_906, %swap3A_907] {strides = array<i32>} : memref<800x32xf32, #tpu.memory_space<vmem>>, vector<1x16xf32>,
          %swap3A_909 = vector.shape_cast %swap3A_908 : vector<1x16xf32> to vector<16xf32>
          %swap3A_910 = vector.shape_cast %add3A_905 : vector<16xf32> to vector<1x16xf32>
          tpu.vector_store %arg12[%swap3A_906, %swap3A_907], %swap3A_910 {strides = array<i32>} : memref<800x32xf32, #tpu.memory_space<vmem>>, vector<1x16xf32>,
          %broadcast_in_dim3A_911 = arith.constant 13 : i32
          %broadcast_in_dim3A_912 = vector.broadcast %broadcast_in_dim3A_911 : i32 to vector<16x1xi32>
          %gather3A_913 = vector.shape_cast %broadcast_in_dim3A_912 : vector<16x1xi32> to vector<16xi32>
          %gather3A_914 = tpu.dynamic_gather %get3A_364[%gather3A_913] in [0] : vector<16xf32>, vector<16xi32> -> vector<16xf32>
          %broadcast_in_dim3A_915 = arith.constant 13 : i32
          %broadcast_in_dim3A_916 = vector.broadcast %broadcast_in_dim3A_915 : i32 to vector<16x1xi32>
          %gather3A_917 = vector.shape_cast %broadcast_in_dim3A_916 : vector<16x1xi32> to vector<16xi32>
          %gather3A_918 = tpu.dynamic_gather %get3A_367[%gather3A_917] in [0] : vector<16xf32>, vector<16xi32> -> vector<16xf32>
          %add3A_919 = arith.constant 13 : i32
          %add3A_920 = arith.addi %mul3A_361, %add3A_919 : i32
          %get3A_921 = arith.index_cast %add3A_920 : i32 to index
          %get3A_922 = arith.constant 0 : index
          %get3A_923 = tpu.vector_load %arg12[%get3A_921, %get3A_922] {strides = array<i32>} : memref<800x32xf32, #tpu.memory_space<vmem>>, vector<1x16xf32>,
          %get3A_924 = vector.shape_cast %get3A_923 : vector<1x16xf32> to vector<16xf32>
          %mul3A_925 = arith.mulf %get3A_924, %gather3A_914 : vector<16xf32>
          %get3A_926 = arith.index_cast %add3A_920 : i32 to index
          %get3A_927 = arith.constant 0 : index
          %get3A_928 = tpu.vector_load %arg13[%get3A_926, %get3A_927] {strides = array<i32>} : memref<800x32xf32, #tpu.memory_space<vmem>>, vector<1x16xf32>,
          %get3A_929 = vector.shape_cast %get3A_928 : vector<1x16xf32> to vector<16xf32>
          %mul3A_930 = arith.mulf %get3A_929, %gather3A_918 : vector<16xf32>
          %add3A_931 = arith.addf %mul3A_925, %mul3A_930 : vector<16xf32>
          %swap3A_932 = arith.index_cast %add3A_920 : i32 to index
          %swap3A_933 = arith.constant 0 : index
          %swap3A_934 = tpu.vector_load %arg12[%swap3A_932, %swap3A_933] {strides = array<i32>} : memref<800x32xf32, #tpu.memory_space<vmem>>, vector<1x16xf32>,
          %swap3A_935 = vector.shape_cast %swap3A_934 : vector<1x16xf32> to vector<16xf32>
          %swap3A_936 = vector.shape_cast %add3A_931 : vector<16xf32> to vector<1x16xf32>
          tpu.vector_store %arg12[%swap3A_932, %swap3A_933], %swap3A_936 {strides = array<i32>} : memref<800x32xf32, #tpu.memory_space<vmem>>, vector<1x16xf32>,
          %get3A_937 = arith.index_cast %add3A_920 : i32 to index
          %get3A_938 = arith.constant 16 : index
          %get3A_939 = tpu.vector_load %arg12[%get3A_937, %get3A_938] {strides = array<i32>} : memref<800x32xf32, #tpu.memory_space<vmem>>, vector<1x16xf32>,
          %get3A_940 = vector.shape_cast %get3A_939 : vector<1x16xf32> to vector<16xf32>
          %mul3A_941 = arith.mulf %get3A_940, %gather3A_914 : vector<16xf32>
          %get3A_942 = arith.index_cast %add3A_920 : i32 to index
          %get3A_943 = arith.constant 16 : index
          %get3A_944 = tpu.vector_load %arg13[%get3A_942, %get3A_943] {strides = array<i32>} : memref<800x32xf32, #tpu.memory_space<vmem>>, vector<1x16xf32>,
          %get3A_945 = vector.shape_cast %get3A_944 : vector<1x16xf32> to vector<16xf32>
          %mul3A_946 = arith.mulf %get3A_945, %gather3A_918 : vector<16xf32>
          %add3A_947 = arith.addf %mul3A_941, %mul3A_946 : vector<16xf32>
          %swap3A_948 = arith.index_cast %add3A_920 : i32 to index
          %swap3A_949 = arith.constant 16 : index
          %swap3A_950 = tpu.vector_load %arg12[%swap3A_948, %swap3A_949] {strides = array<i32>} : memref<800x32xf32, #tpu.memory_space<vmem>>, vector<1x16xf32>,
          %swap3A_951 = vector.shape_cast %swap3A_950 : vector<1x16xf32> to vector<16xf32>
          %swap3A_952 = vector.shape_cast %add3A_947 : vector<16xf32> to vector<1x16xf32>
          tpu.vector_store %arg12[%swap3A_948, %swap3A_949], %swap3A_952 {strides = array<i32>} : memref<800x32xf32, #tpu.memory_space<vmem>>, vector<1x16xf32>,
          %broadcast_in_dim3A_953 = arith.constant 14 : i32
          %broadcast_in_dim3A_954 = vector.broadcast %broadcast_in_dim3A_953 : i32 to vector<16x1xi32>
          %gather3A_955 = vector.shape_cast %broadcast_in_dim3A_954 : vector<16x1xi32> to vector<16xi32>
          %gather3A_956 = tpu.dynamic_gather %get3A_364[%gather3A_955] in [0] : vector<16xf32>, vector<16xi32> -> vector<16xf32>
          %broadcast_in_dim3A_957 = arith.constant 14 : i32
          %broadcast_in_dim3A_958 = vector.broadcast %broadcast_in_dim3A_957 : i32 to vector<16x1xi32>
          %gather3A_959 = vector.shape_cast %broadcast_in_dim3A_958 : vector<16x1xi32> to vector<16xi32>
          %gather3A_960 = tpu.dynamic_gather %get3A_367[%gather3A_959] in [0] : vector<16xf32>, vector<16xi32> -> vector<16xf32>
          %add3A_961 = arith.constant 14 : i32
          %add3A_962 = arith.addi %mul3A_361, %add3A_961 : i32
          %get3A_963 = arith.index_cast %add3A_962 : i32 to index
          %get3A_964 = arith.constant 0 : index
          %get3A_965 = tpu.vector_load %arg12[%get3A_963, %get3A_964] {strides = array<i32>} : memref<800x32xf32, #tpu.memory_space<vmem>>, vector<1x16xf32>,
          %get3A_966 = vector.shape_cast %get3A_965 : vector<1x16xf32> to vector<16xf32>
          %mul3A_967 = arith.mulf %get3A_966, %gather3A_956 : vector<16xf32>
          %get3A_968 = arith.index_cast %add3A_962 : i32 to index
          %get3A_969 = arith.constant 0 : index
          %get3A_970 = tpu.vector_load %arg13[%get3A_968, %get3A_969] {strides = array<i32>} : memref<800x32xf32, #tpu.memory_space<vmem>>, vector<1x16xf32>,
          %get3A_971 = vector.shape_cast %get3A_970 : vector<1x16xf32> to vector<16xf32>
          %mul3A_972 = arith.mulf %get3A_971, %gather3A_960 : vector<16xf32>
          %add3A_973 = arith.addf %mul3A_967, %mul3A_972 : vector<16xf32>
          %swap3A_974 = arith.index_cast %add3A_962 : i32 to index
          %swap3A_975 = arith.constant 0 : index
          %swap3A_976 = tpu.vector_load %arg12[%swap3A_974, %swap3A_975] {strides = array<i32>} : memref<800x32xf32, #tpu.memory_space<vmem>>, vector<1x16xf32>,
          %swap3A_977 = vector.shape_cast %swap3A_976 : vector<1x16xf32> to vector<16xf32>
          %swap3A_978 = vector.shape_cast %add3A_973 : vector<16xf32> to vector<1x16xf32>
          tpu.vector_store %arg12[%swap3A_974, %swap3A_975], %swap3A_978 {strides = array<i32>} : memref<800x32xf32, #tpu.memory_space<vmem>>, vector<1x16xf32>,
          %get3A_979 = arith.index_cast %add3A_962 : i32 to index
          %get3A_980 = arith.constant 16 : index
          %get3A_981 = tpu.vector_load %arg12[%get3A_979, %get3A_980] {strides = array<i32>} : memref<800x32xf32, #tpu.memory_space<vmem>>, vector<1x16xf32>,
          %get3A_982 = vector.shape_cast %get3A_981 : vector<1x16xf32> to vector<16xf32>
          %mul3A_983 = arith.mulf %get3A_982, %gather3A_956 : vector<16xf32>
          %get3A_984 = arith.index_cast %add3A_962 : i32 to index
          %get3A_985 = arith.constant 16 : index
          %get3A_986 = tpu.vector_load %arg13[%get3A_984, %get3A_985] {strides = array<i32>} : memref<800x32xf32, #tpu.memory_space<vmem>>, vector<1x16xf32>,
          %get3A_987 = vector.shape_cast %get3A_986 : vector<1x16xf32> to vector<16xf32>
          %mul3A_988 = arith.mulf %get3A_987, %gather3A_960 : vector<16xf32>
          %add3A_989 = arith.addf %mul3A_983, %mul3A_988 : vector<16xf32>
          %swap3A_990 = arith.index_cast %add3A_962 : i32 to index
          %swap3A_991 = arith.constant 16 : index
          %swap3A_992 = tpu.vector_load %arg12[%swap3A_990, %swap3A_991] {strides = array<i32>} : memref<800x32xf32, #tpu.memory_space<vmem>>, vector<1x16xf32>,
          %swap3A_993 = vector.shape_cast %swap3A_992 : vector<1x16xf32> to vector<16xf32>
          %swap3A_994 = vector.shape_cast %add3A_989 : vector<16xf32> to vector<1x16xf32>
          tpu.vector_store %arg12[%swap3A_990, %swap3A_991], %swap3A_994 {strides = array<i32>} : memref<800x32xf32, #tpu.memory_space<vmem>>, vector<1x16xf32>,
          %broadcast_in_dim3A_995 = arith.constant 15 : i32
          %broadcast_in_dim3A_996 = vector.broadcast %broadcast_in_dim3A_995 : i32 to vector<16x1xi32>
          %gather3A_997 = vector.shape_cast %broadcast_in_dim3A_996 : vector<16x1xi32> to vector<16xi32>
          %gather3A_998 = tpu.dynamic_gather %get3A_364[%gather3A_997] in [0] : vector<16xf32>, vector<16xi32> -> vector<16xf32>
          %broadcast_in_dim3A_999 = arith.constant 15 : i32
          %broadcast_in_dim3A_1000 = vector.broadcast %broadcast_in_dim3A_999 : i32 to vector<16x1xi32>
          %gather3A_1001 = vector.shape_cast %broadcast_in_dim3A_1000 : vector<16x1xi32> to vector<16xi32>
          %gather3A_1002 = tpu.dynamic_gather %get3A_367[%gather3A_1001] in [0] : vector<16xf32>, vector<16xi32> -> vector<16xf32>
          %add3A_1003 = arith.constant 15 : i32
          %add3A_1004 = arith.addi %mul3A_361, %add3A_1003 : i32
          %get3A_1005 = arith.index_cast %add3A_1004 : i32 to index
          %get3A_1006 = arith.constant 0 : index
          %get3A_1007 = tpu.vector_load %arg12[%get3A_1005, %get3A_1006] {strides = array<i32>} : memref<800x32xf32, #tpu.memory_space<vmem>>, vector<1x16xf32>,
          %get3A_1008 = vector.shape_cast %get3A_1007 : vector<1x16xf32> to vector<16xf32>
          %mul3A_1009 = arith.mulf %get3A_1008, %gather3A_998 : vector<16xf32>
          %get3A_1010 = arith.index_cast %add3A_1004 : i32 to index
          %get3A_1011 = arith.constant 0 : index
          %get3A_1012 = tpu.vector_load %arg13[%get3A_1010, %get3A_1011] {strides = array<i32>} : memref<800x32xf32, #tpu.memory_space<vmem>>, vector<1x16xf32>,
          %get3A_1013 = vector.shape_cast %get3A_1012 : vector<1x16xf32> to vector<16xf32>
          %mul3A_1014 = arith.mulf %get3A_1013, %gather3A_1002 : vector<16xf32>
          %add3A_1015 = arith.addf %mul3A_1009, %mul3A_1014 : vector<16xf32>
          %swap3A_1016 = arith.index_cast %add3A_1004 : i32 to index
          %swap3A_1017 = arith.constant 0 : index
          %swap3A_1018 = tpu.vector_load %arg12[%swap3A_1016, %swap3A_1017] {strides = array<i32>} : memref<800x32xf32, #tpu.memory_space<vmem>>, vector<1x16xf32>,
          %swap3A_1019 = vector.shape_cast %swap3A_1018 : vector<1x16xf32> to vector<16xf32>
          %swap3A_1020 = vector.shape_cast %add3A_1015 : vector<16xf32> to vector<1x16xf32>
          tpu.vector_store %arg12[%swap3A_1016, %swap3A_1017], %swap3A_1020 {strides = array<i32>} : memref<800x32xf32, #tpu.memory_space<vmem>>, vector<1x16xf32>,
          %get3A_1021 = arith.index_cast %add3A_1004 : i32 to index
          %get3A_1022 = arith.constant 16 : index
          %get3A_1023 = tpu.vector_load %arg12[%get3A_1021, %get3A_1022] {strides = array<i32>} : memref<800x32xf32, #tpu.memory_space<vmem>>, vector<1x16xf32>,
          %get3A_1024 = vector.shape_cast %get3A_1023 : vector<1x16xf32> to vector<16xf32>
          %mul3A_1025 = arith.mulf %get3A_1024, %gather3A_998 : vector<16xf32>
          %get3A_1026 = arith.index_cast %add3A_1004 : i32 to index
          %get3A_1027 = arith.constant 16 : index
          %get3A_1028 = tpu.vector_load %arg13[%get3A_1026, %get3A_1027] {strides = array<i32>} : memref<800x32xf32, #tpu.memory_space<vmem>>, vector<1x16xf32>,
          %get3A_1029 = vector.shape_cast %get3A_1028 : vector<1x16xf32> to vector<16xf32>
          %mul3A_1030 = arith.mulf %get3A_1029, %gather3A_1002 : vector<16xf32>
          %add3A_1031 = arith.addf %mul3A_1025, %mul3A_1030 : vector<16xf32>
          %swap3A_1032 = arith.index_cast %add3A_1004 : i32 to index
          %swap3A_1033 = arith.constant 16 : index
          %swap3A_1034 = tpu.vector_load %arg12[%swap3A_1032, %swap3A_1033] {strides = array<i32>} : memref<800x32xf32, #tpu.memory_space<vmem>>, vector<1x16xf32>,
          %swap3A_1035 = vector.shape_cast %swap3A_1034 : vector<1x16xf32> to vector<16xf32>
          %swap3A_1036 = vector.shape_cast %add3A_1031 : vector<16xf32> to vector<1x16xf32>
          tpu.vector_store %arg12[%swap3A_1032, %swap3A_1033], %swap3A_1036 {strides = array<i32>} : memref<800x32xf32, #tpu.memory_space<vmem>>, vector<1x16xf32>,
          %scan3A_1037 = arith.constant 0 : i32
          scf.yield %scan3A_1037 : i32
        }
        %scan3A_357 = arith.constant 50 : i32
        "tpu.region"() ({
          %run_scoped3A = tpu.sem_alloc : memref<!tpu.dma_semaphore, #tpu.memory_space<semaphore_mem>>
          %dma_start3A_358 = arith.constant 0 : i32
          %dma_start3A_359 = tpu.memref_slice %arg5[%mul3A_25, %dma_start3A_358] : memref<1000000x32xf32, #tpu.memory_space<hbm>> -> memref<800x32xf32, #tpu.memory_space<hbm>>
          %dma_start3A_360 = arith.constant 0 : i32
          %dma_start3A_361 = tpu.memref_slice %arg5[%mul3A_25, %dma_start3A_360] : memref<1000000x32xf32, #tpu.memory_space<hbm>> -> memref<800x32xf32, #tpu.memory_space<hbm>>
          tpu.enqueue_dma source(%arg12 : memref<800x32xf32, #tpu.memory_space<vmem>>) target(%dma_start3A_361 : memref<800x32xf32, #tpu.memory_space<hbm>>) target_semaphore(%run_scoped3A : memref<!tpu.dma_semaphore, #tpu.memory_space<semaphore_mem>>)
          %dma_wait3A_362 = arith.constant 0 : i32
          %dma_wait3A_363 = tpu.memref_slice %arg5[%mul3A_25, %dma_wait3A_362] : memref<1000000x32xf32, #tpu.memory_space<hbm>> -> memref<800x32xf32, #tpu.memory_space<hbm>>
          %dma_wait3A_364 = arith.constant 0 : i32
          %dma_wait3A_365 = tpu.memref_slice %arg5[%mul3A_25, %dma_wait3A_364] : memref<1000000x32xf32, #tpu.memory_space<hbm>> -> memref<800x32xf32, #tpu.memory_space<hbm>>
          tpu.wait_dma2 semaphore(%run_scoped3A : memref<!tpu.dma_semaphore, #tpu.memory_space<semaphore_mem>>) src(%arg12 : memref<800x32xf32, #tpu.memory_space<vmem>>) dst(%dma_wait3A_365 : memref<800x32xf32, #tpu.memory_space<hbm>>)
          tpu.yield
        }) : () -> ()
      } else {
      }
      %scan3A_23 = arith.constant 0 : i32
      scf.yield %scan3A_23 : i32
    }
    %scan3A_15 = arith.constant 40 : i32
    return
  }
}

module attributes {stable_mosaic.version = 14 : i64} {
  func.func @_transpose_body(%arg0: i32, %arg1: memref<32x4096xf32, #tpu.memory_space<vmem>>, %arg2: memref<4096x32xf32, #tpu.memory_space<vmem>>) attributes {dimension_semantics = [#tpu.dimension_semantics<arbitrary>], iteration_bounds = array<i64: 245>, scalar_prefetch = 0 : i64, scratch_operands = 0 : i64, tpu.core_type = #tpu.core_type<tc>, window_params = [{transform_indices = @transform_0, window_bounds = array<i64: 32, 4096>}, {transform_indices = @transform_1, window_bounds = array<i64: 4096, 32>}]} {
    %get3A = arith.constant 0 : index
    %get3A_0 = arith.constant 0 : index
    %get3A_1 = vector.load %arg1[%get3A, %get3A_0] : memref<32x4096xf32, #tpu.memory_space<vmem>>, vector<32x4096xf32>
    %transpose3A = tpu.transpose %get3A_1, [1, 0] : vector<32x4096xf32> -> vector<4096x32xf32>
    %swap3A = arith.constant 0 : index
    %swap3A_2 = arith.constant 0 : index
    %swap3A_3 = vector.load %arg2[%swap3A, %swap3A_2] : memref<4096x32xf32, #tpu.memory_space<vmem>>, vector<4096x32xf32>
    tpu.vector_store %arg2[%swap3A, %swap3A_2], %transpose3A {strides = array<i32>} : memref<4096x32xf32, #tpu.memory_space<vmem>>, vector<4096x32xf32>,
    return
  }
  func.func @transform_0(%arg0: i32) -> (i32, i32) {
    %c0_i32 = arith.constant 0 : i32
    %c0_i32_0 = arith.constant 0 : i32
    return %c0_i32, %arg0 : i32, i32
  }
  func.func @transform_1(%arg0: i32) -> (i32, i32) {
    %c0_i32 = arith.constant 0 : i32
    %c0_i32_0 = arith.constant 0 : i32
    return %arg0, %c0_i32 : i32, i32
  }
}

</mosaic_0001>

<sc_bundles>
// kernel: kernel.4.cloned.1.call-start
scs
__scs_entry_jumppad:
0x0: {  	(pc) =	sbr.rel $0x88, $3  }
0x1: {  	(tag) =	ssettag $0x0;
	lr =	simm.s32 $0x1  }
0x2: {  	[smem:$0x3F9D] =	sst lr;
	_ =	strace $0xD0000000  }
0x3: {  	_ = 	snop  }
0x4: {  	_ = 	snop  }
0x5: {  	_ = 	snop  }
0x6: {  	_ = 	snop  }
0x7: {  	_ = 	snop  }
__scs_overlays_trampoline_lowered:
0x8: {  	[smem:$0x3FAC] =	sst s0  }
0x9: {  	[smem:$0x3FAD] =	sst s1  }
0xa: {  	[smem:$0x3FAE] =	sst s2  }
0xb: {  	[smem:$0x3FAF] =	sst s3  }
0xc: {  	[smem:$0x3FB0] =	sst s4  }
0xd: {  	[smem:$0x3FB1] =	sst s5  }
0xe: {  	[smem:$0x3FB2] =	sst s6  }
0xf: {  	[smem:$0x3FB3] =	sst s7  }
0x10: {  	[smem:$0x3FB4] =	sst s8  }
0x11: {  	[smem:$0x3FB5] =	sst s9;
	s0 =	simm.s32 @!p0 $0x0  }
0x12: {  	s1 =	sld [smem:$0x3F9B];
	s0 =	simm.s32 @p0 $0x1  }
0x13: {  	[smem:$0x3FB6] =	sst s0;
	s0 =	simm.s32 @!p1 $0x0  }
0x14: {  	s2 =	sld [smem:$0x3F9A];
	s0 =	simm.s32 @p1 $0x1  }
0x15: {  	[smem:$0x3FB7] =	sst s0;
	s0 =	simm.s32 @!p2 $0x0  }
0x16: {  	s3 =	sld [smem:$0x3FDB];
	s0 =	simm.s32 @p2 $0x1  }
0x17: {  	s4 =	simm.s32 $0x1BF5;
	[smem:$0x3FB9] =	sst s0  }
0x18: {  	s0 =	sld [smem:$0x3F9C];
	_ =	swait.ge [sflag:s4], $0x0  }
0x19: {  	s7 =	sld [smem:$0x3F9D]  }
0x1a: {  	s8 =	sadd.s32 $0xFFFFE003, lr  }
0x1b: {  	s9 =	sadd.s32 $0xFFFFFEF7, lr;
	s5 =	simm.s32 $0xFFFFFFFF;
	p2 =	slt.u32 s8, $0xFFFFF086  }
0x1c: {  	p1 =	slt.u32 s9, $0xF7A;
	s5 =	simm.s32 @!p2 $0x0  }
0x1d: {  	s5 =	simm.s32 @p1 $0x1;
	p0 =	seq.s32 s7, s2  }
0x1e: {  	s7 =	smul.u32 @!p0 $0xF7A, s2;
	p2 =	seq.s32 @!p0 s5, $0x0  }
0x1f: {  	s9 =	smul.u32 $0xF7A, s1;
	s8 =	simm.s32 @!p0 $0x1BF5;
	p2 =	por !p2, p0  }
0x20: {  	[sflag:s8] =	ssyncset.s32 @!p0 $0xFFFFF086;
	s6 =	sadd.s32 @!p0 s3, s7;
	s7 =	simm.s32 @!p0 $0x108  }
0x21: {  	s3 =	sadd.s32 s3, s9;
	s6 =	sadd.s32 @!p0 $0x88, s6;
	s7 =	simm.s32 @p2 $0x1082  }
0x22: {  	[simem:s7], [sflag:s8] =	dma.local @!p0 [hbm:s6], $0xF7A  }
0x23: {  	s9 =	sor.u32 $0xD0000000, s2;
	s6 =	simm.s32 $0x108;
	_ =	swait.ge @!p0 [sflag:s8], $0x0  }
0x24: {  	s3 =	sadd.s32 $0x88, s3;
	s6 =	simm.s32 @!p1 $0x1082;
	[sflag:s4] =	ssyncset.s32 $0xFFFFF086  }
0x25: {  	[simem:s6], [sflag:s4] =	dma.local [hbm:s3], $0xF7A  }
0x26: {  	[smem:$0x3F9D] =	sst s1;
	(tag) =	ssettag s2;
	_ =	strace s9  }
0x27: {  	s1 =	sld [smem:$0x3FAD]  }
0x28: {  	s2 =	sld [smem:$0x3FAE]  }
0x29: {  	s4 =	sld [smem:$0x3FB0]  }
0x2a: {  	p0 =	seq.s32 s5, $0x0;
	s5 =	sld [smem:$0x3FB1]  }
0x2b: {  	s6 =	sld [smem:$0x3FB2]  }
0x2c: {  	s7 =	sld [smem:$0x3FB3]  }
0x2d: {  	s3 =	simm.s32 $0x108;
	s8 =	sld [smem:$0x3FB4]  }
0x2e: {  	s3 =	simm.s32 @!p0 $0x1082;
	s9 =	sld [smem:$0x3FB5]  }
0x2f: {  	lr =	sadd.s32 s0, s3;
	s0 =	sld [smem:$0x3FAC]  }
0x30: {  	s3 =	sld [smem:$0x3FAF]  }
0x31: {  	[smem:$0x3FB8] =	sst s10  }
0x32: {  	s10 =	sld [smem:$0x3FB6];
	_ =	sdelay $0x3  }
0x33: {  	p0 =	seq.s32 s10, $0x1;
	s10 =	sld [smem:$0x3FB8];
	_ =	sdelay $0x3  }
0x34: {  	[smem:$0x3FB8] =	sst s10  }
0x35: {  	s10 =	sld [smem:$0x3FB7];
	_ =	sdelay $0x3  }
0x36: {  	p1 =	seq.s32 s10, $0x1;
	s10 =	sld [smem:$0x3FB8];
	_ =	sdelay $0x3  }
0x37: {  	[smem:$0x3FB8] =	sst s10  }
0x38: {  	s10 =	sld [smem:$0x3FB9]  }
0x39: {  	_ = 	snop;
	(pc) =	sbr.ind lr, $3  }
0x3a: {  	_ = 	snop  }
0x3b: {  	_ = 	snop  }
0x3c: {  	p2 =	seq.s32 s10, $0x1;
	s10 =	sld [smem:$0x3FB8]  }
0x3d: {  	_ =	shalt  }
0x3e: {  	_ =	shalt  }
0x3f: {  	_ =	shalt  }
0x40: {  	_ =	shalt  }
0x41: {  	_ =	shalt  }
0x42: {  	_ =	shalt  }
0x43: {  	_ =	shalt  }
0x44: {  	_ =	shalt  }
0x45: {  	_ =	shalt  }
0x46: {  	_ =	shalt  }
0x47: {  	_ =	shalt  }
0x48: {  	_ =	shalt  }
0x49: {  	_ =	shalt  }
0x4a: {  	_ =	shalt  }
0x4b: {  	_ =	shalt  }
0x4c: {  	_ =	shalt  }
0x4d: {  	_ =	shalt  }
0x4e: {  	_ =	shalt  }
0x4f: {  	_ =	shalt  }
0x50: {  	_ =	shalt  }
0x51: {  	_ =	shalt  }
0x52: {  	_ =	shalt  }
0x53: {  	_ =	shalt  }
0x54: {  	_ =	shalt  }
0x55: {  	_ =	shalt  }
0x56: {  	_ =	shalt  }
0x57: {  	_ =	shalt  }
0x58: {  	_ =	shalt  }
0x59: {  	_ =	shalt  }
0x5a: {  	_ =	shalt  }
0x5b: {  	_ =	shalt  }
0x5c: {  	_ =	shalt  }
0x5d: {  	_ =	shalt  }
0x5e: {  	_ =	shalt  }
0x5f: {  	_ =	shalt  }
0x60: {  	_ =	shalt  }
0x61: {  	_ =	shalt  }
0x62: {  	_ =	shalt  }
0x63: {  	_ =	shalt  }
0x64: {  	_ =	shalt  }
0x65: {  	_ =	shalt  }
0x66: {  	_ =	shalt  }
0x67: {  	_ =	shalt  }
0x68: {  	_ =	shalt  }
0x69: {  	_ =	shalt  }
0x6a: {  	_ =	shalt  }
0x6b: {  	_ =	shalt  }
0x6c: {  	_ =	shalt  }
0x6d: {  	_ =	shalt  }
0x6e: {  	_ =	shalt  }
0x6f: {  	_ =	shalt  }
0x70: {  	_ =	shalt  }
0x71: {  	_ =	shalt  }
0x72: {  	_ =	shalt  }
0x73: {  	_ =	shalt  }
0x74: {  	_ =	shalt  }
0x75: {  	_ =	shalt  }
0x76: {  	_ =	shalt  }
0x77: {  	_ =	shalt  }
0x78: {  	_ =	shalt  }
0x79: {  	_ =	shalt  }
0x7a: {  	_ =	shalt  }
0x7b: {  	_ =	shalt  }
0x7c: {  	_ =	shalt  }
0x7d: {  	_ =	shalt  }
0x7e: {  	_ =	shalt  }
0x7f: {  	_ =	shalt  }
0x80: {  	_ =	shalt  }
0x81: {  	_ =	shalt  }
0x82: {  	_ =	shalt  }
0x83: {  	_ =	shalt  }
0x84: {  	_ =	shalt  }
0x85: {  	_ =	shalt  }
0x86: {  	_ =	shalt  }
0x87: {  	_ =	shalt  }
.Lfunc_end0:
.L_simem_size_0:
called_computation.1_lowered:
.L_overlay_start_0:
0x88: {  	s2 =	sld [smem:$0x3FD9]  }
0x89: {  	s3 =	sld [smem:$0x3FFE];
	_ =	sdelay $0x1  }
0x8a: {  	s1 =	srdreg.scid  }
0x8b: {  	s0 =	sand.u32 $0x1, s1  }
0x8c: {  	s17 =	sshll.u32 s0, $0xA;
	s2 =	sadd.s32 s3, s2  }
0x8d: {  	s2 =	sadd.s32 s2, s17  }
0x8e: {  	[smem:$0x3FC4] =	sst s2  }
0x8f: {  	_ = 	snop  }
0x90: {  	s2 =	sld [smem:$0x3FD0];
	(tm) =	ssettm $0x1  }
0x91: {  	s18 =	sld [smem:$0x3FFB];
	_ =	sdelay $0x3  }
0x92: {  	_ =	strace s18  }
0x93: {  	s3 =	sld [smem:$0x3FFC];
	_ =	sdelay $0x3  }
0x94: {  	_ =	strace s3  }
0x95: {  	s3 =	sld [smem:$0x3FFD];
	_ =	sdelay $0x3  }
0x96: {  	_ =	strace s3  }
0x97: {  	_ =	strace $0x8FFFFFFF  }
0x98: {  	s19 =	sld [smem:$0x3FDB];
	_ =	sdelay $0x1  }
0x99: {  	s4 =	simm.s32 $_scs_section_size  }
0x9a: {  	s5 =	simm.s32 $_size__tile_overlayer_lowered;
	s6 =	simm.s32 $_tile_overlayer_lowered  }
0x9b: {  	s22 =	simm.s32 $0x1BFF;
	s21 =	sshll.u32 s6, $0x1;
	s3 =	sadd.s32 s4, s19  }
0x9c: {  	s7 =	simm.s32 $0x0;
	s20 =	sshll.u32 s5, $0x1;
	s5 =	sadd.s32 s21, s3  }
0x9d: {  	[timem:s7], [sflag:s22] =	dma.local [hbm:s5], s20  }
0x9e: {  	_ =	swait.ge [sflag:s22], s20  }
0x9f: {  	s4 =	ssub.s32 $0x0, s20;
	[sflag:s22] =	ssyncset.done $0x0  }
0xa0: {  	[sflag:s22] =	ssyncadd.s32 s4;
	_ =	sdelay $0x1  }
0xa1: {  	s23 =	simm.s32 $0x1B8B  }
0xa2: {  	_ =	swait.ge [sflag:s23], $0x1  }
0xa3: {  	[sflag:s23] =	ssyncset.done $0x0  }
0xa4: {  	s25 =	simm.s32 $0x1B8E;
	s24 =	sld [smem:$0x3FFE];
	[sflag:s23] =	ssyncadd.s32 $0xFFFFFFFF  }
0xa5: {  	s26 =	simm.s32 $execute0_lowered;
	[smem:$0x3FD2] =	sst s25  }
0xa6: {  	s5 =	sshll.u32 s26, $0x1;
	_ =	strace $0x80000046;
	[dreg:$0x1] =	wrdreg $0xFFFFFFFF  }
0xa7: {  	s28 =	simm.s32 $_size_execute0_lowered;
	s3 =	sadd.s32 s3, s5;
	[dreg:$0x0] =	wrdreg $0x0  }
0xa8: {  	s5 =	sshll.u32 s28, $0x1;
	[dreg:$0x2] =	wrdreg s3  }
0xa9: {  	[dreg:$0x3] =	wrdreg s5  }
0xaa: {  	[dreg:$0x4] =	wrdreg $0xC0  }
0xab: {  	_ =	task [dreg:s7], $0x5FFFF  }
0xac: {  	[dreg:$0x1] =	wrdreg $0xFFFFFFFF  }
0xad: {  	[dreg:$0x0] =	wrdreg $0x60  }
0xae: {  	[dreg:$0x2] =	wrdreg s24  }
0xaf: {  	[dreg:$0x3] =	wrdreg s2  }
0xb0: {  	[dreg:$0x4] =	wrdreg $0x9  }
0xb1: {  	_ =	task.clear_ibuf [dreg:s7], $0x5FFFF;
	_ =	strace $0x90000046  }
0xb2: {  	s29 =	simm.s32 $0x9;
	_ =	strace $0x80000048  }
0xb3: {  	_ =	swait.ge [sflag:s29], $0x1  }
0xb4: {  	[sflag:s29] =	ssyncadd.s32 $0xFFFFFFFF  }
0xb5: {  	_ =	strace $0x90000048  }
0xb6: {  	_ =	sfence  }
0xb7: {  	s30 =	sld [smem:$0x0];
	_ =	sdelay $0x2  }
0xb8: {  	s31 =	sshll.u32 s1, $0xD;
	s1 =	sshrl.u32 s1, $0x2  }
0xb9: {  	s3 =	sand.u32 $0x4000, s31;
	s1 =	sadd.s32 s1, s30  }
0xba: {  	s0 =	sor.u32 s3, s0;
	s1 =	sshll.u32 s1, $0x11  }
0xbb: {  	s0 =	sor.u32 s1, s0  }
0xbc: {  	s0 =	sadd.s32 $0x8F2B, s0  }
0xbd: {  	[sflag:s0] =	ssyncadd.remote.s32 $0x1  }
0xbe: {  	_ =	sfence.sel $0xFFFF  }
0xbf: {  	[dreg:$0x0] =	wrdreg $0xFFFFFFFF;
	(pc) =	sbr.abs _section_cstart, $3  }
0xc0: {  	[dreg:$0x1] =	wrdreg $0xFFFFFFFF  }
0xc1: {  	_ =	task.clear_ibuf [dreg:s7], $0x2FFFF;
	_ =	strace $0x9FFFFFFF  }
0xc2: {  	(tm) =	ssettm $0x7FFFFFFF  }
0xc3: {  	_ =	shalt  }
tec
execute0_lowered:
.L_overlay_start_1:
0x0: {  	(tag) =	ssettag $0x1  }
0x1: {  	s0 =	rddreg [dreg:$0x0]  }
0x2: {  	s1 =	rddreg [dreg:$0x1];
	s3 =	simm.s32 $0x0  }
0x3: {  	s2 =	srdreg.scid;
	s6 =	stileid.u32;
	s10 =	simm.s32 $0x2  }
0x4: {  	s12 =	simm.s32 $0x3;
	s13 =	simm.s32 $0x50;
	s15 =	simm.s32 $0xFC0  }
0x5: {  	s19 =	simm.s32 $0x840;
	s20 =	simm.s32 $0xAFC0;
	s21 =	simm.s32 $0x570  }
0x6: {  	s22 =	simm.s32 $0x55C0;
	s23 =	simm.s32 $0x890;
	s24 =	simm.s32 $0xB9C0  }
0x7: {  	s28 =	simm.s32 $0x8E0;
	s29 =	simm.s32 $0xC3C0;
	s30 =	simm.s32 $0x610  }
0x8: {  	s31 =	simm.s32 $0x69C0;
	s9 =	simm.s32 $0x0;
	[smem:$0x7FF] =	sst s3  }
0x9: {  	v0 =	vimm.s32 $0x0;
	v1 =	vimm.f32 $0.0e+00;
	s3 =	sand.u32 $0x1, s2;
	s5 =	sadd.s32 $0x800, s0;
	s4 =	sadd.s32 $0x600, s0  }
.Ltmp0:
0xa: {  	v2 =	vimm.s32 $0x1;
	v3 =	vimm.s32 $0x2;
	v4 =	vimm.s32 $0x3;
	s7 =	sadd.s32 $0x1F200, s0;
	s2 =	ssub.s32 $0x2, s3;
	(pc) =	sbr.rel .LBB2_1-.Ltmp0, $4  }
0xb: {  	v5 =	vimm.s32 $0x4;
	v6 =	vimm.s32 $0x5;
	v7 =	vimm.s32 $0x6;
	s8 =	sshll.u32 s6, $0x1;
	s6 =	simm.s32 $0x1;
	s25 =	sshrl.u32 s2, $0x1  }
0xc: {  	v8 =	vimm.s32 $0x7;
	v9 =	vimm.s32 $0x8;
	v10 =	vimm.s32 $0x9;
	_ =	strace $0x80000047;
	[dreg:$0x3] =	wrdreg s4;
	s26 =	ssub.s32 s2, s25  }
0xd: {  	v11 =	vimm.s32 $0xA;
	v12 =	vimm.s32 $0xB;
	v13 =	vimm.s32 $0xC;
	s4 =	simm.s32 $0xCDC0;
	s25 =	simm.s32 $0x5C0;
	s0 =	smax.u32 s26, $0x1  }
0xe: {  	v14 =	vimm.s32 $0xD;
	v15 =	vimm.s32 $0xE;
	v16 =	vimm.s32 $0xF;
	s26 =	simm.s32 $0x5FC0;
	[dreg:$0x4] =	wrdreg s0;
	s0 =	simm.s32 $0x930  }
.LBB2_9:
0xf: {  	s9 =	rddreg [dreg:$0x5]  }
0x10: {  	s2 =	rddreg [dreg:$0x4];
	s9 =	sadd.s32 $0x1, s9  }
0x11: {  	p0 =	sne.s32 s9, s2  }
.Ltmp1:
0x12: {  	_ = 	snop;
	(pc) =	sbr.rel @!p0 .LBB2_10-.Ltmp1, $1  }
0x13: {  	_ =	sdelay $0x3  }
.LBB2_1:
0x14: {  	[dreg:$0x5] =	wrdreg s9  }
0x15: {  	s2 =	simm.s32 $0x0;
	s18 =	rddreg [dreg:$0x3]  }
0x16: {  	[tilespmem:s2], [sflag:$0x2] =	stream.linear.gather [hbm4b:s18+s2], $0x20, $0x38;
	[tilespmem:$0xD7C0] =	vst v63  }
.Ltmp2:
0x17: {  	_ =	swait.ge [sflag:s10], $0x20;
	(pc) =	sbr.rel .LBB2_2-.Ltmp2, $4  }
0x18: {  	[sflag:s10] =	ssyncset.done $0x0  }
0x19: {  	[sflag:s10] =	ssyncadd.s32 $0xFFFFFFE0  }
0x1a: {  	v17 =	vld [tilespmem:$0x0]  }
0x1b: {  	s2 =	simm.s32 $0x0;
	v18 =	vld [tilespmem:$0x10]  }
.LBB2_8:
0x1c: {  	s2 =	sadd.s32 $0x1, s2  }
0x1d: {  	p0 =	sne.s32 s2, $0x28  }
.Ltmp3:
0x1e: {  	_ = 	snop;
	(pc) =	sbr.rel @!p0 .LBB2_9-.Ltmp3, $1  }
0x1f: {  	_ =	sdelay $0x3  }
.LBB2_2:
0x20: {  	s9 =	sshll.u32 s2, $0x5  }
0x21: {  	s9 =	sor.u32 s8, s9  }
0x22: {  	p0 =	sgt.u32 s9, $0x4E1  }
.Ltmp4:
0x23: {  	_ = 	snop;
	(pc) =	sbr.rel @p0 .LBB2_8-.Ltmp4, $1  }
0x24: {  	_ =	sdelay $0x3  }
0x25: {  	s9 =	sor.u32 s3, s9  }
0x26: {  	s11 =	smul.u32 $0x64, s9;
	_ =	sdelay $0x1  }
0x27: {  	s14 =	simm.s32 $0x0;
	s16 =	simm.s32 $0x20;
	s11 =	sadd.s32 s5, s11  }
0x28: {  	[tilespmem:s16], [sflag:$0x3] =	stream.linear.gather [hbm4b:s11+s14], $0x320, $0x38;
	[tilespmem:$0xD7C0] =	vst v63  }
0x29: {  	_ =	swait.ge [sflag:s12], $0x320  }
0x2a: {  	[sflag:s12] =	ssyncset.done $0x0  }
0x2b: {  	s16 =	simm.s32 $0x0;
	[sflag:s12] =	ssyncadd.s32 $0xFFFFFCE0  }
0x2c: {  	v19 =	vld [tilespmem:s16+$0x20];
	_ =	sdelay $0x4  }
0x2d: {  	v19 =	vsub.f32 v19, v17;
	_ =	sdelay $0x1  }
0x2e: {  	s14 =	simm.s32 $0x10;
	v19 =	vmul.f32 v19, v18  }
0x2f: {  	v20 =	vld [tilespmem:s14+$0x20]  }
0x30: {  	v21 =	vmul.f32 $9.999990000e+05, v19  }
0x31: {  	s11 =	simm.s32 $0x20  }
0x32: {  	v24 =	vld [tilespmem:s11+$0x20];
	v19 =	vtrunc.f32 v21  }
0x33: {  	v22 =	vcvt.f32.s32 v19;
	vm0 =	vlt.f32 v21, v19  }
0x34: {  	v19 =	vsub.f32 v20, v17;
	v20 =	vsel vm0, $0xFFFFFFFF, v0  }
0x35: {  	v22 =	vadd.s32 v22, v20  }
0x36: {  	v20 =	vmul.f32 v19, v18;
	v23 =	vcvt.s32.f32 v22  }
0x37: {  	v24 =	vsub.f32 v24, v17;
	vm0 =	vgt.s32 v22, $0x0  }
0x38: {  	v20 =	vmul.f32 $9.999990000e+05, v20;
	v25 =	vsub.f32 v21, v23;
	v23 =	vadd.s32 $0x1, v22  }
0x39: {  	v19 =	vnsel vm0, $0x0, v22;
	vm0 =	vgt.s32 v22, $0xFFFFFFFF;
	vm1 =	vlt.s32 v23, $0xF4240  }
0x3a: {  	v21 =	vtrunc.f32 v20;
	vm0 =	vmand vm0, vm1;
	v22 =	vsub.f32 $1.000000000e+00, v25  }
0x3b: {  	v26 =	vcvt.f32.s32 v21;
	vm1 =	vlt.f32 v20, v21;
	v27 =	vsel vm0, $0x3F800000, v1  }
0x3c: {  	v24 =	vmul.f32 v24, v18;
	v21 =	vsel vm1, $0xFFFFFFFF, v0;
	v28 =	vmul.f32 v27, v22  }
0x3d: {  	vm2 =	vgt.s32 v23, $0x0;
	v21 =	vadd.s32 v26, v21;
	v22 =	vmul.f32 v27, v25  }
0x3e: {  	s17 =	simm.s32 $0x30;
	s18 =	simm.s32 $0x100;
	v23 =	vnsel vm2, $0x0, v23;
	v25 =	vcvt.s32.f32 v21;
	vm0 =	vgt.s32 v21, $0x0;
	[tilespmem:s16+$0x980] =	vst v28  }
.LBB2_4:
0x3f: {  	p0 =	sne.s32 s18, $0xC40;
	v26 =	vld [tilespmem:s17+$0x20];
	v27 =	vmin.u32 v19, $0xF423F;
	v19 =	vnsel vm0, $0x0, v21;
	v23 =	vmin.u32 v23, $0xF423F;
	[tilespmem:s16+$0xCA0] =	vst v22  }
0x40: {  	v22 =	vsub.f32 v20, v25;
	v20 =	vmul.f32 $9.999990000e+05, v24;
	v24 =	vadd.s32 $0x1, v21;
	[tilespmem:s16+$0x660] =	vst v23  }
0x41: {  	vm0 =	vgt.s32 v21, $0xFFFFFFFF;
	vm1 =	vlt.s32 v24, $0xF4240;
	vm2 =	vgt.s32 v24, $0x0;
	[tilespmem:s16+$0x340] =	vst v27;
	s16 =	smov.u32 s14;
	s14 =	smov.u32 s11;
	s11 =	smov.u32 s17  }
.Ltmp5:
0x42: {  	v21 =	vtrunc.f32 v20;
	vm0 =	vmand vm0, vm1;
	v23 =	vsub.f32 $1.000000000e+00, v22;
	(pc) =	sbr.rel @p0 .LBB2_4-.Ltmp5, $4  }
0x43: {  	v25 =	vcvt.f32.s32 v21;
	vm1 =	vlt.f32 v20, v21;
	v27 =	vsel vm0, $0x3F800000, v1  }
0x44: {  	v26 =	vsub.f32 v26, v17;
	v21 =	vsel vm1, $0xFFFFFFFF, v0;
	v28 =	vmul.f32 v27, v23  }
0x45: {  	v23 =	vnsel vm2, $0x0, v24;
	v22 =	vmul.f32 v27, v22;
	v21 =	vadd.s32 v25, v21  }
0x46: {  	s17 =	sshra.s32 s18, $0x2;
	s18 =	sadd.s32 $0x40, s18;
	v24 =	vmul.f32 v26, v18;
	v25 =	vcvt.s32.f32 v21;
	vm0 =	vgt.s32 v21, $0x0;
	[tilespmem:s16+$0x980] =	vst v28  }
0x47: {  	v26 =	vld [tilespmem:s17+$0x20]  }
0x48: {  	v27 =	vadd.s32 $0x1, v21;
	vm1 =	vgt.s32 v21, $0xFFFFFFFF  }
0x49: {  	v49 =	vnsel vm0, $0x0, v21;
	v19 =	vmin.u32 v19, $0xF423F;
	v23 =	vmin.u32 v23, $0xF423F  }
0x4a: {  	v24 =	vmul.f32 $9.999990000e+05, v24;
	v20 =	vsub.f32 v20, v25;
	vm2 =	vlt.s32 v27, $0xF4240  }
0x4b: {  	vm5 =	vgt.s32 v27, $0x0;
	v21 =	vmin.u32 v49, $0xF423F;
	vm1 =	vmand vm1, vm2  }
0x4c: {  	v47 =	vtrunc.f32 v24;
	v28 =	vsub.f32 $1.000000000e+00, v20;
	v26 =	vsub.f32 v26, v17  }
0x4d: {  	[tilespmem:s16+$0xCA0] =	vst v22;
	v48 =	vsel vm1, $0x3F800000, v1;
	v29 =	vcvt.f32.s32 v47;
	vm4 =	vlt.f32 v24, v47  }
0x4e: {  	[tilespmem:s16+$0x660] =	vst v23;
	v20 =	vmul.f32 v48, v20;
	v30 =	vsel vm4, $0xFFFFFFFF, v0;
	v26 =	vmul.f32 v26, v18  }
0x4f: {  	[tilespmem:s16+$0x340] =	vst v19;
	v27 =	vnsel vm5, $0x0, v27;
	v28 =	vmul.f32 v48, v28;
	v29 =	vadd.s32 v29, v30  }
0x50: {  	[tilespmem:s14+$0xCA0] =	vst v20;
	v20 =	vmin.u32 v27, $0xF423F;
	v50 =	vcvt.s32.f32 v29;
	v26 =	vmul.f32 $9.999990000e+05, v26  }
0x51: {  	v52 =	vadd.s32 $0x1, v29;
	vm7 =	vgt.s32 v29, $0xFFFFFFFF;
	vm13 =	vgt.s32 v29, $0x0  }
0x52: {  	vm8 =	vlt.s32 v52, $0xF4240;
	vm10 =	vgt.s32 v52, $0x0;
	v51 =	vtrunc.f32 v26  }
0x53: {  	v61 =	vnsel vm13, $0x0, v29;
	vm6 =	vlt.f32 v26, v51;
	v25 =	vcvt.f32.s32 v51  }
0x54: {  	v24 =	vsub.f32 v24, v50;
	vm9 =	vmand vm7, vm8;
	v53 =	vsel vm6, $0xFFFFFFFF, v0  }
0x55: {  	[tilespmem:s14+$0x660] =	vst v20;
	v20 =	vnsel vm10, $0x0, v52;
	v55 =	vsel vm9, $0x3F800000, v1;
	v19 =	vadd.s32 v25, v53  }
0x56: {  	[tilespmem:s14+$0x340] =	vst v21;
	v20 =	vmin.u32 v20, $0xF423F;
	v54 =	vsub.f32 $1.000000000e+00, v24;
	v56 =	vcvt.s32.f32 v19  }
0x57: {  	[tilespmem:s14+$0x980] =	vst v28;
	v59 =	vmul.f32 v55, v24;
	v24 =	vmin.u32 v61, $0xF423F;
	v58 =	vadd.s32 $0x1, v19  }
0x58: {  	[tilespmem:s11+$0x660] =	vst v20;
	vm11 =	vgt.s32 v19, $0xFFFFFFFF;
	vm12 =	vlt.s32 v58, $0xF4240;
	v57 =	vsub.f32 v26, v56  }
0x59: {  	[tilespmem:s11+$0x340] =	vst v24;
	v23 =	vmul.f32 v55, v54;
	vm15 =	vgt.s32 v19, $0x0;
	vm0 =	vmand vm11, vm12  }
0x5a: {  	[tilespmem:s11+$0xCA0] =	vst v59;
	v19 =	vnsel vm15, $0x0, v19;
	v62 =	vsel vm0, $0x3F800000, v1;
	v60 =	vsub.f32 $1.000000000e+00, v57  }
0x5b: {  	[tilespmem:s11+$0x980] =	vst v23;
	v19 =	vmin.u32 v19, $0xF423F;
	v21 =	vmul.f32 v62, v57  }
0x5c: {  	vm14 =	vgt.s32 v58, $0x0;
	[tilespmem:s17+$0x340] =	vst v19;
	v20 =	vmul.f32 v62, v60  }
0x5d: {  	v63 =	vnsel vm14, $0x0, v58;
	[tilespmem:s17+$0xCA0] =	vst v21  }
0x5e: {  	[tilespmem:s17+$0x980] =	vst v20;
	v20 =	vmin.u32 v63, $0xF423F  }
0x5f: {  	s18 =	simm.s32 $0x340;
	[tilespmem:s17+$0x660] =	vst v20  }
0x60: {  	[tilespmem:s15], [sflag:$0x1] =	stream.indirect.gather [hbm4b:s1+s13], $0x20, s18, s13, $0xb8;
	[tilespmem:$0xD7C0] =	vst v63  }
0x61: {  	s16 =	simm.s32 $0x73C0;
	s14 =	simm.s32 $0x660  }
0x62: {  	[tilespmem:s16], [sflag:$0x1] =	stream.indirect.gather [hbm4b:s1+s13], $0x20, s14, s13, $0xb8;
	[tilespmem:$0xD7C0] =	vst v63  }
0x63: {  	s17 =	simm.s32 $0x390;
	s18 =	simm.s32 $0x19C0  }
0x64: {  	[tilespmem:s18], [sflag:$0x1] =	stream.indirect.gather [hbm4b:s1+s13], $0x20, s17, s13, $0xb8;
	[tilespmem:$0xD7C0] =	vst v63  }
0x65: {  	s14 =	simm.s32 $0x6B0;
	s16 =	simm.s32 $0x7DC0  }
0x66: {  	[tilespmem:s16], [sflag:$0x1] =	stream.indirect.gather [hbm4b:s1+s13], $0x20, s14, s13, $0xb8;
	[tilespmem:$0xD7C0] =	vst v63  }
0x67: {  	s17 =	simm.s32 $0x3E0;
	s18 =	simm.s32 $0x23C0  }
0x68: {  	[tilespmem:s18], [sflag:$0x1] =	stream.indirect.gather [hbm4b:s1+s13], $0x20, s17, s13, $0xb8;
	[tilespmem:$0xD7C0] =	vst v63  }
0x69: {  	s14 =	simm.s32 $0x700;
	s16 =	simm.s32 $0x87C0  }
0x6a: {  	[tilespmem:s16], [sflag:$0x1] =	stream.indirect.gather [hbm4b:s1+s13], $0x20, s14, s13, $0xb8;
	[tilespmem:$0xD7C0] =	vst v63  }
0x6b: {  	s17 =	simm.s32 $0x430;
	s18 =	simm.s32 $0x2DC0  }
0x6c: {  	[tilespmem:s18], [sflag:$0x1] =	stream.indirect.gather [hbm4b:s1+s13], $0x20, s17, s13, $0xb8;
	[tilespmem:$0xD7C0] =	vst v63  }
0x6d: {  	s14 =	simm.s32 $0x750;
	s16 =	simm.s32 $0x91C0  }
0x6e: {  	[tilespmem:s16], [sflag:$0x1] =	stream.indirect.gather [hbm4b:s1+s13], $0x20, s14, s13, $0xb8;
	[tilespmem:$0xD7C0] =	vst v63  }
0x6f: {  	s17 =	simm.s32 $0x480;
	s18 =	simm.s32 $0x37C0  }
0x70: {  	[tilespmem:s18], [sflag:$0x1] =	stream.indirect.gather [hbm4b:s1+s13], $0x20, s17, s13, $0xb8;
	[tilespmem:$0xD7C0] =	vst v63  }
0x71: {  	s14 =	simm.s32 $0x7A0;
	s16 =	simm.s32 $0x9BC0  }
0x72: {  	[tilespmem:s16], [sflag:$0x1] =	stream.indirect.gather [hbm4b:s1+s13], $0x20, s14, s13, $0xb8;
	[tilespmem:$0xD7C0] =	vst v63  }
0x73: {  	s17 =	simm.s32 $0x4D0;
	s18 =	simm.s32 $0x41C0  }
0x74: {  	[tilespmem:s18], [sflag:$0x1] =	stream.indirect.gather [hbm4b:s1+s13], $0x20, s17, s13, $0xb8;
	[tilespmem:$0xD7C0] =	vst v63  }
0x75: {  	s14 =	simm.s32 $0x7F0;
	s16 =	simm.s32 $0xA5C0  }
0x76: {  	[tilespmem:s16], [sflag:$0x1] =	stream.indirect.gather [hbm4b:s1+s13], $0x20, s14, s13, $0xb8;
	[tilespmem:$0xD7C0] =	vst v63  }
0x77: {  	s17 =	simm.s32 $0x520;
	s18 =	simm.s32 $0x4BC0  }
0x78: {  	[tilespmem:s18], [sflag:$0x1] =	stream.indirect.gather [hbm4b:s1+s13], $0x20, s17, s13, $0xb8;
	[tilespmem:$0xD7C0] =	vst v63  }
0x79: {  	_ = 	snop  }
0x7a: {  	[tilespmem:s20], [sflag:$0x1] =	stream.indirect.gather [hbm4b:s1+s13], $0x20, s19, s13, $0xb8;
	[tilespmem:$0xD7C0] =	vst v63  }
0x7b: {  	_ = 	snop  }
0x7c: {  	[tilespmem:s22], [sflag:$0x1] =	stream.indirect.gather [hbm4b:s1+s13], $0x20, s21, s13, $0xb8;
	[tilespmem:$0xD7C0] =	vst v63  }
0x7d: {  	_ = 	snop  }
0x7e: {  	[tilespmem:s24], [sflag:$0x1] =	stream.indirect.gather [hbm4b:s1+s13], $0x20, s23, s13, $0xb8;
	[tilespmem:$0xD7C0] =	vst v63  }
0x7f: {  	_ = 	snop  }
0x80: {  	[tilespmem:s26], [sflag:$0x1] =	stream.indirect.gather [hbm4b:s1+s13], $0x20, s25, s13, $0xb8;
	[tilespmem:$0xD7C0] =	vst v63  }
0x81: {  	_ = 	snop  }
0x82: {  	[tilespmem:s29], [sflag:$0x1] =	stream.indirect.gather [hbm4b:s1+s13], $0x20, s28, s13, $0xb8;
	[tilespmem:$0xD7C0] =	vst v63  }
0x83: {  	_ = 	snop  }
0x84: {  	[tilespmem:s31], [sflag:$0x1] =	stream.indirect.gather [hbm4b:s1+s13], $0x20, s30, s13, $0xb8;
	[tilespmem:$0xD7C0] =	vst v63  }
0x85: {  	_ = 	snop  }
0x86: {  	[tilespmem:s4], [sflag:$0x1] =	stream.indirect.gather [hbm4b:s1+s13], $0x20, s0, s13, $0xb8;
	[tilespmem:$0xD7C0] =	vst v63  }
0x87: {  	_ =	swait.ge [sflag:s6], $0xA00  }
0x88: {  	[sflag:s6] =	ssyncset.done $0x0  }
0x89: {  	[sflag:s6] =	ssyncadd.s32 $0xFFFFF600  }
0x8a: {  	_ =	swait.ge [sflag:s6], $0xA00  }
0x8b: {  	[sflag:s6] =	ssyncset.done $0x0  }
0x8c: {  	[sflag:s6] =	ssyncadd.s32 $0xFFFFF600  }
0x8d: {  	_ =	swait.ge [sflag:s6], $0xA00  }
0x8e: {  	[sflag:s6] =	ssyncset.done $0x0  }
0x8f: {  	[sflag:s6] =	ssyncadd.s32 $0xFFFFF600  }
0x90: {  	_ =	swait.ge [sflag:s6], $0xA00  }
0x91: {  	[sflag:s6] =	ssyncset.done $0x0  }
0x92: {  	[sflag:s6] =	ssyncadd.s32 $0xFFFFF600  }
0x93: {  	_ =	swait.ge [sflag:s6], $0xA00  }
0x94: {  	[sflag:s6] =	ssyncset.done $0x0  }
0x95: {  	[sflag:s6] =	ssyncadd.s32 $0xFFFFF600  }
0x96: {  	_ =	swait.ge [sflag:s6], $0xA00  }
0x97: {  	[sflag:s6] =	ssyncset.done $0x0  }
0x98: {  	[sflag:s6] =	ssyncadd.s32 $0xFFFFF600  }
0x99: {  	_ =	swait.ge [sflag:s6], $0xA00  }
0x9a: {  	[sflag:s6] =	ssyncset.done $0x0  }
0x9b: {  	[sflag:s6] =	ssyncadd.s32 $0xFFFFF600  }
0x9c: {  	_ =	swait.ge [sflag:s6], $0xA00  }
0x9d: {  	[sflag:s6] =	ssyncset.done $0x0  }
0x9e: {  	[sflag:s6] =	ssyncadd.s32 $0xFFFFF600  }
0x9f: {  	_ =	swait.ge [sflag:s6], $0xA00  }
0xa0: {  	[sflag:s6] =	ssyncset.done $0x0  }
0xa1: {  	[sflag:s6] =	ssyncadd.s32 $0xFFFFF600  }
0xa2: {  	_ =	swait.ge [sflag:s6], $0xA00  }
0xa3: {  	[sflag:s6] =	ssyncset.done $0x0  }
0xa4: {  	[sflag:s6] =	ssyncadd.s32 $0xFFFFF600  }
0xa5: {  	_ =	swait.ge [sflag:s6], $0xA00  }
0xa6: {  	[sflag:s6] =	ssyncset.done $0x0  }
0xa7: {  	[sflag:s6] =	ssyncadd.s32 $0xFFFFF600  }
0xa8: {  	_ =	swait.ge [sflag:s6], $0xA00  }
0xa9: {  	[sflag:s6] =	ssyncset.done $0x0  }
0xaa: {  	[sflag:s6] =	ssyncadd.s32 $0xFFFFF600  }
0xab: {  	_ =	swait.ge [sflag:s6], $0xA00  }
0xac: {  	[sflag:s6] =	ssyncset.done $0x0  }
0xad: {  	[sflag:s6] =	ssyncadd.s32 $0xFFFFF600  }
0xae: {  	_ =	swait.ge [sflag:s6], $0xA00  }
0xaf: {  	[sflag:s6] =	ssyncset.done $0x0  }
0xb0: {  	[sflag:s6] =	ssyncadd.s32 $0xFFFFF600  }
0xb1: {  	_ =	swait.ge [sflag:s6], $0xA00  }
0xb2: {  	[sflag:s6] =	ssyncset.done $0x0  }
0xb3: {  	[sflag:s6] =	ssyncadd.s32 $0xFFFFF600  }
0xb4: {  	_ =	swait.ge [sflag:s6], $0xA00  }
0xb5: {  	[sflag:s6] =	ssyncset.done $0x0  }
0xb6: {  	[sflag:s6] =	ssyncadd.s32 $0xFFFFF600  }
0xb7: {  	_ =	swait.ge [sflag:s6], $0xA00  }
0xb8: {  	[sflag:s6] =	ssyncset.done $0x0  }
0xb9: {  	[sflag:s6] =	ssyncadd.s32 $0xFFFFF600  }
0xba: {  	_ =	swait.ge [sflag:s6], $0xA00  }
0xbb: {  	[sflag:s6] =	ssyncset.done $0x0  }
0xbc: {  	[sflag:s6] =	ssyncadd.s32 $0xFFFFF600  }
0xbd: {  	_ =	swait.ge [sflag:s6], $0xA00  }
0xbe: {  	[sflag:s6] =	ssyncset.done $0x0  }
0xbf: {  	[sflag:s6] =	ssyncadd.s32 $0xFFFFF600  }
0xc0: {  	_ =	swait.ge [sflag:s6], $0xA00  }
0xc1: {  	s11 =	simm.s32 $0x0;
	[sflag:s6] =	ssyncset.done $0x0  }
0xc2: {  	s14 =	simm.s32 $0x74C0;
	s16 =	simm.s32 $0x10C0;
	[sflag:s6] =	ssyncadd.s32 $0xFFFFF600  }
.LBB2_6:
0xc3: {  	s17 =	sshra.s32 s11, $0x2  }
0xc4: {  	v19 =	vld [tilespmem:s17+$0x980]  }
0xc5: {  	v20 =	vld [tilespmem:s17+$0xCA0]  }
0xc6: {  	v21 =	vld [tilespmem:s16+$0xFFFFFF00]  }
0xc7: {  	v22 =	vld [tilespmem:s14+$0xFFFFFF00];
	_ =	sdelay $0x2  }
0xc8: {  	v23 =	vperm.xlane v19, v0;
	v24 =	vperm.xlane v20, v0;
	_ =	sdelay $0x1  }
0xc9: {  	v21 =	vmul.f32 v21, v23;
	v22 =	vmul.f32 v22, v24;
	_ =	sdelay $0x1  }
0xca: {  	v21 =	vadd.f32 v22, v21;
	_ =	sdelay $0x1  }
0xcb: {  	v46 =	vld [tilespmem:s16+$0xFFFFFF10];
	[tilespmem:s16+$0xFFFFFF00] =	vst v21  }
0xcc: {  	v47 =	vld [tilespmem:s14+$0xFFFFFF10];
	_ =	sdelay $0x4  }
0xcd: {  	v21 =	vmul.f32 v46, v23;
	v22 =	vmul.f32 v47, v24;
	_ =	sdelay $0x1  }
0xce: {  	v21 =	vadd.f32 v22, v21;
	_ =	sdelay $0x1  }
0xcf: {  	v48 =	vld [tilespmem:s16+$0xFFFFFF20];
	[tilespmem:s16+$0xFFFFFF10] =	vst v21  }
0xd0: {  	v49 =	vld [tilespmem:s14+$0xFFFFFF20];
	_ =	sdelay $0x2  }
0xd1: {  	v50 =	vperm.xlane v19, v2;
	v51 =	vperm.xlane v20, v2;
	_ =	sdelay $0x1  }
0xd2: {  	v21 =	vmul.f32 v48, v50;
	v22 =	vmul.f32 v49, v51;
	_ =	sdelay $0x1  }
0xd3: {  	v21 =	vadd.f32 v22, v21;
	_ =	sdelay $0x1  }
0xd4: {  	v52 =	vld [tilespmem:s16+$0xFFFFFF30];
	[tilespmem:s16+$0xFFFFFF20] =	vst v21  }
0xd5: {  	v53 =	vld [tilespmem:s14+$0xFFFFFF30];
	_ =	sdelay $0x4  }
0xd6: {  	v21 =	vmul.f32 v52, v50;
	v22 =	vmul.f32 v53, v51;
	_ =	sdelay $0x1  }
0xd7: {  	v21 =	vadd.f32 v22, v21;
	_ =	sdelay $0x1  }
0xd8: {  	v54 =	vld [tilespmem:s16+$0xFFFFFF40];
	[tilespmem:s16+$0xFFFFFF30] =	vst v21  }
0xd9: {  	v55 =	vld [tilespmem:s14+$0xFFFFFF40];
	_ =	sdelay $0x2  }
0xda: {  	v56 =	vperm.xlane v19, v3;
	v57 =	vperm.xlane v20, v3;
	_ =	sdelay $0x1  }
0xdb: {  	v21 =	vmul.f32 v54, v56;
	v22 =	vmul.f32 v55, v57;
	_ =	sdelay $0x1  }
0xdc: {  	v21 =	vadd.f32 v22, v21;
	_ =	sdelay $0x1  }
0xdd: {  	v58 =	vld [tilespmem:s16+$0xFFFFFF50];
	[tilespmem:s16+$0xFFFFFF40] =	vst v21  }
0xde: {  	v59 =	vld [tilespmem:s14+$0xFFFFFF50];
	_ =	sdelay $0x4  }
0xdf: {  	v21 =	vmul.f32 v58, v56;
	v22 =	vmul.f32 v59, v57;
	_ =	sdelay $0x1  }
0xe0: {  	v21 =	vadd.f32 v22, v21;
	_ =	sdelay $0x1  }
0xe1: {  	v60 =	vld [tilespmem:s16+$0xFFFFFF60];
	[tilespmem:s16+$0xFFFFFF50] =	vst v21  }
0xe2: {  	v61 =	vld [tilespmem:s14+$0xFFFFFF60];
	_ =	sdelay $0x2  }
0xe3: {  	v62 =	vperm.xlane v19, v4;
	v63 =	vperm.xlane v20, v4;
	_ =	sdelay $0x1  }
0xe4: {  	v21 =	vmul.f32 v60, v62;
	v22 =	vmul.f32 v61, v63;
	_ =	sdelay $0x1  }
0xe5: {  	v21 =	vadd.f32 v22, v21;
	_ =	sdelay $0x1  }
0xe6: {  	v28 =	vld [tilespmem:s16+$0xFFFFFF70];
	[tilespmem:s16+$0xFFFFFF60] =	vst v21  }
0xe7: {  	v29 =	vld [tilespmem:s14+$0xFFFFFF70];
	_ =	sdelay $0x4  }
0xe8: {  	v21 =	vmul.f32 v28, v62;
	v22 =	vmul.f32 v29, v63;
	_ =	sdelay $0x1  }
0xe9: {  	v21 =	vadd.f32 v22, v21;
	_ =	sdelay $0x1  }
0xea: {  	v30 =	vld [tilespmem:s16+$0xFFFFFF80];
	[tilespmem:s16+$0xFFFFFF70] =	vst v21  }
0xeb: {  	v31 =	vld [tilespmem:s14+$0xFFFFFF80];
	_ =	sdelay $0x2  }
0xec: {  	v32 =	vperm.xlane v19, v5;
	v33 =	vperm.xlane v20, v5;
	_ =	sdelay $0x1  }
0xed: {  	v21 =	vmul.f32 v30, v32;
	v22 =	vmul.f32 v31, v33;
	_ =	sdelay $0x1  }
0xee: {  	v21 =	vadd.f32 v22, v21;
	_ =	sdelay $0x1  }
0xef: {  	v34 =	vld [tilespmem:s16+$0xFFFFFF90];
	[tilespmem:s16+$0xFFFFFF80] =	vst v21  }
0xf0: {  	v35 =	vld [tilespmem:s14+$0xFFFFFF90];
	_ =	sdelay $0x4  }
0xf1: {  	v21 =	vmul.f32 v34, v32;
	v22 =	vmul.f32 v35, v33;
	_ =	sdelay $0x1  }
0xf2: {  	v21 =	vadd.f32 v22, v21;
	_ =	sdelay $0x1  }
0xf3: {  	v36 =	vld [tilespmem:s16+$0xFFFFFFA0];
	[tilespmem:s16+$0xFFFFFF90] =	vst v21  }
0xf4: {  	v37 =	vld [tilespmem:s14+$0xFFFFFFA0];
	_ =	sdelay $0x2  }
0xf5: {  	v38 =	vperm.xlane v19, v6;
	v39 =	vperm.xlane v20, v6;
	_ =	sdelay $0x1  }
0xf6: {  	v21 =	vmul.f32 v36, v38;
	v22 =	vmul.f32 v37, v39;
	_ =	sdelay $0x1  }
0xf7: {  	v21 =	vadd.f32 v22, v21;
	_ =	sdelay $0x1  }
0xf8: {  	v40 =	vld [tilespmem:s16+$0xFFFFFFB0];
	[tilespmem:s16+$0xFFFFFFA0] =	vst v21  }
0xf9: {  	v41 =	vld [tilespmem:s14+$0xFFFFFFB0];
	_ =	sdelay $0x4  }
0xfa: {  	v21 =	vmul.f32 v40, v38;
	v22 =	vmul.f32 v41, v39;
	_ =	sdelay $0x1  }
0xfb: {  	v21 =	vadd.f32 v22, v21;
	_ =	sdelay $0x1  }
0xfc: {  	v42 =	vld [tilespmem:s16+$0xFFFFFFC0];
	[tilespmem:s16+$0xFFFFFFB0] =	vst v21  }
0xfd: {  	v43 =	vld [tilespmem:s14+$0xFFFFFFC0];
	_ =	sdelay $0x2  }
0xfe: {  	v44 =	vperm.xlane v19, v7;
	v45 =	vperm.xlane v20, v7;
	_ =	sdelay $0x1  }
0xff: {  	v21 =	vmul.f32 v42, v44;
	v22 =	vmul.f32 v43, v45;
	_ =	sdelay $0x1  }
0x100: {  	v21 =	vadd.f32 v22, v21;
	_ =	sdelay $0x1  }
0x101: {  	v46 =	vld [tilespmem:s16+$0xFFFFFFD0];
	[tilespmem:s16+$0xFFFFFFC0] =	vst v21  }
0x102: {  	v47 =	vld [tilespmem:s14+$0xFFFFFFD0];
	_ =	sdelay $0x4  }
0x103: {  	v21 =	vmul.f32 v46, v44;
	v22 =	vmul.f32 v47, v45;
	_ =	sdelay $0x1  }
0x104: {  	v21 =	vadd.f32 v22, v21;
	_ =	sdelay $0x1  }
0x105: {  	v48 =	vld [tilespmem:s16+$0xFFFFFFE0];
	[tilespmem:s16+$0xFFFFFFD0] =	vst v21  }
0x106: {  	v49 =	vld [tilespmem:s14+$0xFFFFFFE0];
	_ =	sdelay $0x2  }
0x107: {  	v50 =	vperm.xlane v19, v8;
	v51 =	vperm.xlane v20, v8;
	_ =	sdelay $0x1  }
0x108: {  	v21 =	vmul.f32 v48, v50;
	v22 =	vmul.f32 v49, v51;
	_ =	sdelay $0x1  }
0x109: {  	v21 =	vadd.f32 v22, v21;
	_ =	sdelay $0x1  }
0x10a: {  	v52 =	vld [tilespmem:s16+$0xFFFFFFF0];
	[tilespmem:s16+$0xFFFFFFE0] =	vst v21  }
0x10b: {  	v53 =	vld [tilespmem:s14+$0xFFFFFFF0];
	_ =	sdelay $0x4  }
0x10c: {  	v21 =	vmul.f32 v52, v50;
	v22 =	vmul.f32 v53, v51;
	_ =	sdelay $0x1  }
0x10d: {  	v21 =	vadd.f32 v22, v21;
	_ =	sdelay $0x1  }
0x10e: {  	v54 =	vld [tilespmem:s16+$0x0];
	[tilespmem:s16+$0xFFFFFFF0] =	vst v21  }
0x10f: {  	v55 =	vld [tilespmem:s14+$0x0];
	_ =	sdelay $0x2  }
0x110: {  	v56 =	vperm.xlane v19, v9;
	v57 =	vperm.xlane v20, v9;
	_ =	sdelay $0x1  }
0x111: {  	v21 =	vmul.f32 v54, v56;
	v22 =	vmul.f32 v55, v57;
	_ =	sdelay $0x1  }
0x112: {  	v21 =	vadd.f32 v22, v21;
	_ =	sdelay $0x1  }
0x113: {  	v58 =	vld [tilespmem:s16+$0x10];
	[tilespmem:s16+$0x0] =	vst v21  }
0x114: {  	v59 =	vld [tilespmem:s14+$0x10];
	_ =	sdelay $0x4  }
0x115: {  	v21 =	vmul.f32 v58, v56;
	v22 =	vmul.f32 v59, v57;
	_ =	sdelay $0x1  }
0x116: {  	v21 =	vadd.f32 v22, v21;
	_ =	sdelay $0x1  }
0x117: {  	v60 =	vld [tilespmem:s16+$0x20];
	[tilespmem:s16+$0x10] =	vst v21  }
0x118: {  	v61 =	vld [tilespmem:s14+$0x20];
	_ =	sdelay $0x2  }
0x119: {  	v62 =	vperm.xlane v19, v10;
	v63 =	vperm.xlane v20, v10;
	_ =	sdelay $0x1  }
0x11a: {  	v21 =	vmul.f32 v60, v62;
	v22 =	vmul.f32 v61, v63;
	_ =	sdelay $0x1  }
0x11b: {  	v21 =	vadd.f32 v22, v21;
	_ =	sdelay $0x1  }
0x11c: {  	v28 =	vld [tilespmem:s16+$0x30];
	[tilespmem:s16+$0x20] =	vst v21  }
0x11d: {  	v29 =	vld [tilespmem:s14+$0x30];
	_ =	sdelay $0x4  }
0x11e: {  	v21 =	vmul.f32 v28, v62;
	v22 =	vmul.f32 v29, v63;
	_ =	sdelay $0x1  }
0x11f: {  	v21 =	vadd.f32 v22, v21;
	_ =	sdelay $0x1  }
0x120: {  	v30 =	vld [tilespmem:s16+$0x40];
	[tilespmem:s16+$0x30] =	vst v21  }
0x121: {  	v31 =	vld [tilespmem:s14+$0x40];
	_ =	sdelay $0x2  }
0x122: {  	v32 =	vperm.xlane v19, v11;
	v33 =	vperm.xlane v20, v11;
	_ =	sdelay $0x1  }
0x123: {  	v21 =	vmul.f32 v30, v32;
	v22 =	vmul.f32 v31, v33;
	_ =	sdelay $0x1  }
0x124: {  	v21 =	vadd.f32 v22, v21;
	_ =	sdelay $0x1  }
0x125: {  	v34 =	vld [tilespmem:s16+$0x50];
	[tilespmem:s16+$0x40] =	vst v21  }
0x126: {  	v35 =	vld [tilespmem:s14+$0x50];
	_ =	sdelay $0x4  }
0x127: {  	v21 =	vmul.f32 v34, v32;
	v22 =	vmul.f32 v35, v33;
	_ =	sdelay $0x1  }
0x128: {  	v21 =	vadd.f32 v22, v21;
	_ =	sdelay $0x1  }
0x129: {  	v36 =	vld [tilespmem:s16+$0x60];
	[tilespmem:s16+$0x50] =	vst v21  }
0x12a: {  	v37 =	vld [tilespmem:s14+$0x60];
	_ =	sdelay $0x2  }
0x12b: {  	v38 =	vperm.xlane v19, v12;
	v39 =	vperm.xlane v20, v12;
	_ =	sdelay $0x1  }
0x12c: {  	v21 =	vmul.f32 v36, v38;
	v22 =	vmul.f32 v37, v39;
	_ =	sdelay $0x1  }
0x12d: {  	v21 =	vadd.f32 v22, v21;
	_ =	sdelay $0x1  }
0x12e: {  	v40 =	vld [tilespmem:s16+$0x70];
	[tilespmem:s16+$0x60] =	vst v21  }
0x12f: {  	v41 =	vld [tilespmem:s14+$0x70];
	_ =	sdelay $0x4  }
0x130: {  	v21 =	vmul.f32 v40, v38;
	v22 =	vmul.f32 v41, v39;
	_ =	sdelay $0x1  }
0x131: {  	v21 =	vadd.f32 v22, v21;
	_ =	sdelay $0x1  }
0x132: {  	v42 =	vld [tilespmem:s16+$0x80];
	[tilespmem:s16+$0x70] =	vst v21  }
0x133: {  	v43 =	vld [tilespmem:s14+$0x80];
	_ =	sdelay $0x2  }
0x134: {  	v44 =	vperm.xlane v19, v13;
	v45 =	vperm.xlane v20, v13;
	_ =	sdelay $0x1  }
0x135: {  	v21 =	vmul.f32 v42, v44;
	v22 =	vmul.f32 v43, v45;
	_ =	sdelay $0x1  }
0x136: {  	v21 =	vadd.f32 v22, v21;
	_ =	sdelay $0x1  }
0x137: {  	v46 =	vld [tilespmem:s16+$0x90];
	[tilespmem:s16+$0x80] =	vst v21  }
0x138: {  	v47 =	vld [tilespmem:s14+$0x90];
	_ =	sdelay $0x4  }
0x139: {  	v21 =	vmul.f32 v46, v44;
	v22 =	vmul.f32 v47, v45;
	_ =	sdelay $0x1  }
0x13a: {  	v21 =	vadd.f32 v22, v21;
	_ =	sdelay $0x1  }
0x13b: {  	v48 =	vld [tilespmem:s16+$0xA0];
	[tilespmem:s16+$0x90] =	vst v21  }
0x13c: {  	v49 =	vld [tilespmem:s14+$0xA0];
	_ =	sdelay $0x2  }
0x13d: {  	v50 =	vperm.xlane v19, v14;
	v51 =	vperm.xlane v20, v14;
	_ =	sdelay $0x1  }
0x13e: {  	v21 =	vmul.f32 v48, v50;
	v22 =	vmul.f32 v49, v51;
	_ =	sdelay $0x1  }
0x13f: {  	v21 =	vadd.f32 v22, v21;
	_ =	sdelay $0x1  }
0x140: {  	v52 =	vld [tilespmem:s16+$0xB0];
	[tilespmem:s16+$0xA0] =	vst v21  }
0x141: {  	v53 =	vld [tilespmem:s14+$0xB0];
	_ =	sdelay $0x4  }
0x142: {  	v21 =	vmul.f32 v52, v50;
	v22 =	vmul.f32 v53, v51;
	_ =	sdelay $0x1  }
0x143: {  	v21 =	vadd.f32 v22, v21;
	_ =	sdelay $0x1  }
0x144: {  	v54 =	vld [tilespmem:s16+$0xC0];
	[tilespmem:s16+$0xB0] =	vst v21  }
0x145: {  	v55 =	vld [tilespmem:s14+$0xC0];
	_ =	sdelay $0x2  }
0x146: {  	v56 =	vperm.xlane v19, v15;
	v57 =	vperm.xlane v20, v15;
	_ =	sdelay $0x1  }
0x147: {  	v21 =	vmul.f32 v54, v56;
	v22 =	vmul.f32 v55, v57;
	_ =	sdelay $0x1  }
0x148: {  	v21 =	vadd.f32 v22, v21;
	_ =	sdelay $0x1  }
0x149: {  	v58 =	vld [tilespmem:s16+$0xD0];
	[tilespmem:s16+$0xC0] =	vst v21  }
0x14a: {  	v59 =	vld [tilespmem:s14+$0xD0];
	_ =	sdelay $0x4  }
0x14b: {  	v21 =	vmul.f32 v58, v56;
	v22 =	vmul.f32 v59, v57;
	_ =	sdelay $0x1  }
0x14c: {  	v21 =	vadd.f32 v22, v21;
	_ =	sdelay $0x1  }
0x14d: {  	v60 =	vld [tilespmem:s16+$0xE0];
	[tilespmem:s16+$0xD0] =	vst v21  }
0x14e: {  	v61 =	vld [tilespmem:s14+$0xE0];
	_ =	sdelay $0x2  }
0x14f: {  	v19 =	vperm.xlane v19, v16;
	v20 =	vperm.xlane v20, v16;
	_ =	sdelay $0x1  }
0x150: {  	v21 =	vmul.f32 v60, v19;
	v22 =	vmul.f32 v61, v20;
	_ =	sdelay $0x1  }
0x151: {  	v21 =	vadd.f32 v22, v21;
	_ =	sdelay $0x1  }
0x152: {  	v62 =	vld [tilespmem:s16+$0xF0];
	[tilespmem:s16+$0xE0] =	vst v21  }
0x153: {  	v63 =	vld [tilespmem:s14+$0xF0];
	_ =	sdelay $0x3  }
0x154: {  	p0 =	sne.s32 s11, $0xC40  }
.Ltmp6:
0x155: {  	v19 =	vmul.f32 v62, v19;
	v20 =	vmul.f32 v63, v20;
	(pc) =	sbr.rel @p0 .LBB2_6-.Ltmp6, $3  }
0x156: {  	_ = 	snop  }
0x157: {  	v19 =	vadd.f32 v20, v19;
	_ =	sdelay $0x1  }
0x158: {  	s11 =	sadd.s32 $0x40, s11;
	s14 =	sadd.s32 $0x200, s14;
	[tilespmem:s16+$0xF0] =	vst v19;
	s16 =	sadd.s32 $0x200, s16  }
0x159: {  	s9 =	smul.u32 $0xC80, s9;
	_ =	sdelay $0x1  }
.Ltmp7:
0x15a: {  	s11 =	simm.s32 $0x0;
	s9 =	sadd.s32 s7, s9;
	(pc) =	sbr.rel .LBB2_8-.Ltmp7, $4  }
0x15b: {  	[hbm4b:s9+s11] =	stream.linear.scatter [tilespmem:s15], [sflag:$0x2], $0x6400, $0x38;
	[tilespmem:$0xD7C0] =	vst v63  }
0x15c: {  	_ =	swait.ge [sflag:s10], $0x6400  }
0x15d: {  	[sflag:s10] =	ssyncset.done $0x0  }
0x15e: {  	[sflag:s10] =	ssyncadd.s32 $0xFFFF9C00  }
.LBB2_10:
0x15f: {  	_ =	sfence.sel $0x180000  }
0x160: {  	[bflag:$0x0] =	sbarrier.arrive $0xFFFF  }
0x161: {  	_ =	strace $0x90000047  }
0x162: {  	s0 =	stileid.u32;
	[bflag:$0x2] =	sbarrier.arrive $0xFFFF  }
0x163: {  	p0 =	sne.s32 s0, $0x0;
	s0 =	rddreg [dreg:$0x2]  }
0x164: {  	s0 =	sadd.s32 @!p0 $0x100000, s0  }
0x165: {  	[sflag:s0] =	ssyncadd.tile.s32 @!p0 $0x1;
	_ =	shalt  }
.Lfunc_end2:
_tile_overlayer_lowered:
.L_overlay_start_2:
0x166: {  	(tag) =	ssettag $0x2  }
0x167: {  	s0 =	rddreg [dreg:$0x0];
	s2 =	stileid.u32  }
0x168: {  	s1 =	rddreg [dreg:$0x1];
	p0 =	sne.s32 s2, $0x0  }
0x169: {  	s3 =	rddreg [dreg:$0x2];
	[bflag:$0x3] =	sbarrier.arrive $0xFFFF;
	s2 =	simm.s32 @!p0 $0x1C02  }
0x16a: {  	[timem:s3], [sflag:s2] =	dma.local @!p0 [hbm:s0], s1  }
0x16b: {  	s0 =	simm.s32 @!p0 $0x2  }
0x16c: {  	_ =	swait.ge @!p0 [sflag:s0], s1  }
0x16d: {  	s1 =	ssub.s32 @!p0 $0x0, s1;
	[sflag:s0] =	ssyncset.done @!p0 $0x0  }
0x16e: {  	[sflag:s0] =	ssyncadd.s32 @!p0 s1  }
0x16f: {  	[bflag:$0x3] =	sbarrier.arrive $0xFFFF  }
0x170: {  	_ =	shalt  }

// kernel: sparse-core-data-format-call.cloned.1.call-start
scs
called_computation_lowered:
.L_overlay_start_0:
0x0: {  	s2 =	sld [smem:$0x3FD9]  }
0x1: {  	s3 =	sld [smem:$0x3FFE];
	_ =	sdelay $0x1  }
0x2: {  	s1 =	srdreg.scid  }
0x3: {  	s0 =	sand.u32 $0x1, s1  }
0x4: {  	s18 =	sshll.u32 s0, $0xA;
	s2 =	sadd.s32 s3, s2  }
0x5: {  	s2 =	sadd.s32 s2, s18  }
0x6: {  	[smem:$0x3FC4] =	sst s2  }
0x7: {  	_ = 	snop  }
0x8: {  	s2 =	sld [smem:$0x3FD0];
	(tm) =	ssettm $0x1  }
0x9: {  	s19 =	sld [smem:$0x3FFB];
	_ =	sdelay $0x3  }
0xa: {  	_ =	strace s19  }
0xb: {  	s3 =	sld [smem:$0x3FFC];
	_ =	sdelay $0x3  }
0xc: {  	_ =	strace s3  }
0xd: {  	s3 =	sld [smem:$0x3FFD];
	_ =	sdelay $0x3  }
0xe: {  	_ =	strace s3  }
0xf: {  	_ =	strace $0x8FFFFFFF  }
0x10: {  	s20 =	sld [smem:$0x3FDB];
	_ =	sdelay $0x1  }
0x11: {  	s4 =	simm.s32 $_scs_section_size  }
0x12: {  	s5 =	simm.s32 $_size__tile_overlayer_lowered;
	s6 =	simm.s32 $_tile_overlayer_lowered  }
0x13: {  	s23 =	simm.s32 $0x1BFF;
	s22 =	sshll.u32 s6, $0x1;
	s3 =	sadd.s32 s4, s20  }
0x14: {  	s7 =	simm.s32 $0x0;
	s21 =	sshll.u32 s5, $0x1;
	s5 =	sadd.s32 s22, s3  }
0x15: {  	[timem:s7], [sflag:s23] =	dma.local [hbm:s5], s21  }
0x16: {  	_ =	swait.ge [sflag:s23], s21  }
0x17: {  	s4 =	ssub.s32 $0x0, s21;
	[sflag:s23] =	ssyncset.done $0x0  }
0x18: {  	[sflag:s23] =	ssyncadd.s32 s4;
	_ =	sdelay $0x1  }
0x19: {  	s24 =	simm.s32 $0x1B8B  }
0x1a: {  	_ =	swait.ge [sflag:s24], $0x1  }
0x1b: {  	[sflag:s24] =	ssyncset.done $0x0  }
0x1c: {  	s26 =	simm.s32 $0x1B8E;
	s25 =	sld [smem:$0x3FFE];
	[sflag:s24] =	ssyncadd.s32 $0xFFFFFFFF  }
0x1d: {  	s27 =	simm.s32 $execute0_lowered;
	[smem:$0x3FD2] =	sst s26  }
0x1e: {  	s5 =	sshll.u32 s27, $0x1;
	_ =	strace $0x80000049;
	[dreg:$0x1] =	wrdreg $0xFFFFFFFF  }
0x1f: {  	s28 =	simm.s32 $_size_execute0_lowered;
	s3 =	sadd.s32 s3, s5;
	[dreg:$0x0] =	wrdreg $0x0  }
0x20: {  	s5 =	sshll.u32 s28, $0x1;
	[dreg:$0x2] =	wrdreg s3  }
0x21: {  	[dreg:$0x3] =	wrdreg s5  }
0x22: {  	[dreg:$0x4] =	wrdreg $0xC0  }
0x23: {  	_ =	task [dreg:s7], $0x5FFFF  }
0x24: {  	[dreg:$0x1] =	wrdreg $0xFFFFFFFF  }
0x25: {  	[dreg:$0x0] =	wrdreg $0x60  }
0x26: {  	[dreg:$0x2] =	wrdreg s25  }
0x27: {  	[dreg:$0x3] =	wrdreg s2  }
0x28: {  	[dreg:$0x4] =	wrdreg $0x9  }
0x29: {  	_ =	task.clear_ibuf [dreg:s7], $0x5FFFF;
	_ =	strace $0x90000049  }
0x2a: {  	s29 =	simm.s32 $0x9;
	_ =	strace $0x8000004B  }
0x2b: {  	_ =	swait.ge [sflag:s29], $0x1  }
0x2c: {  	[sflag:s29] =	ssyncadd.s32 $0xFFFFFFFF  }
0x2d: {  	_ =	strace $0x9000004B  }
0x2e: {  	_ =	sfence  }
0x2f: {  	s30 =	sld [smem:$0x0];
	_ =	sdelay $0x2  }
0x30: {  	s31 =	sshll.u32 s1, $0xD;
	s1 =	sshrl.u32 s1, $0x2  }
0x31: {  	s3 =	sand.u32 $0x4000, s31;
	s1 =	sadd.s32 s1, s30  }
0x32: {  	s0 =	sor.u32 s3, s0;
	s1 =	sshll.u32 s1, $0x11  }
0x33: {  	s0 =	sor.u32 s1, s0  }
0x34: {  	s0 =	sadd.s32 $0x8F2B, s0  }
0x35: {  	[sflag:s0] =	ssyncadd.remote.s32 $0x1  }
0x36: {  	_ =	sfence.sel $0xFFFF  }
0x37: {  	[dreg:$0x0] =	wrdreg $0xFFFFFFFF;
	(pc) =	sbr.abs _section_cstart, $3  }
0x38: {  	[dreg:$0x1] =	wrdreg $0xFFFFFFFF  }
0x39: {  	_ =	task.clear_ibuf [dreg:s7], $0x2FFFF;
	_ =	strace $0x9FFFFFFF  }
0x3a: {  	(tm) =	ssettm $0x7FFFFFFF  }
0x3b: {  	_ =	shalt  }
tec
execute0_lowered:
.L_overlay_start_1:
0x0: {  	(tag) =	ssettag $0x1  }
0x1: {  	s4 =	rddreg [dreg:$0x0]  }
0x2: {  	s0 =	srdreg.scid;
	s2 =	rddreg [dreg:$0x1]  }
0x3: {  	s1 =	stileid.u32;
	s5 =	simm.s32 $0x1;
	s0 =	sshll.u32 s0, $0x4  }
0x4: {  	s7 =	simm.s32 $0x2;
	s11 =	simm.s32 $0x0;
	s3 =	sand.u32 $0x10, s0  }
.Ltmp0:
0x5: {  	p0 =	por $0x0, $0x0;
	s3 =	sor.u32 s1, s3;
	(pc) =	sbr.rel .LBB1_1-.Ltmp0, $4  }
0x6: {  	s8 =	simm.s32 $0x7A1400;
	s10 =	simm.s32 $0x0;
	s3 =	sshll.u32 s3, $0x7  }
0x7: {  	s0 =	rddreg [dreg:$0x2];
	_ =	strace $0x8000004A;
	s6 =	ssub.s32 $0xF4200, s3  }
0x8: {  	s4 =	sadd.s32 $0x3EFC00, s4;
	[sflag:s5] =	ssyncpa.u1 $0x0;
	s6 =	sshrl.u32 s6, $0xC  }
0x9: {  	[sflag:s7] =	ssyncpa.u1 $0x0;
	s9 =	smov.u32 s3;
	s7 =	sadd.s32 $0x2, s6  }
.LBB1_5:
0xa: {  	s13 =	sadd.s32 $0x1000, s9  }
0xb: {  	p2 =	sgt.s32 s13, $0xF423F  }
0xc: {  	s13 =	smov.u32 @p2 s3;
	p2 =	sne.s32 s10, s7  }
.Ltmp1:
0xd: {  	p1 =	slt.u32 s10, $0x2;
	(pc) =	sbr.rel @!p2 .LBB1_6-.Ltmp1, $4  }
0xe: {  	s12 =	simm.s32 @!p1 $0x2  }
0xf: {  	s14 =	sadd.s32 $0x1, s10;
	_ =	swait.ge @!p1 [sflag:s12], $0x1000  }
0x10: {  	s11 =	smov.u32 s9;
	p0 =	por !p0, !p0;
	[sflag:s12] =	ssyncset.done @!p1 $0x0  }
0x11: {  	s10 =	smov.u32 s14;
	s9 =	smov.u32 s13;
	[sflag:s12] =	ssyncadd.s32 @!p1 $0xFFFFF000  }
.LBB1_1:
0x12: {  	p1 =	sgt.u32 s10, s6  }
0x13: {  	s13 =	smov.u32 s9;
	p2 =	sgt.s32 @!p1 s9, $0xF41C0  }
0x14: {  	s12 =	sand.u32 @!p1 $0x1FFFFFF, s9;
	s14 =	sshra.s32 @!p1 s9, $0x1F;
	p2 =	por !p2, p1  }
0x15: {  	s15 =	smulhi.u32 @!p1 $0x218DEF5, s12;
	s14 =	sand.u32 @!p1 s14, s9;
	s13 =	simm.s32 @p2 $0xF41C0  }
0x16: {  	s13 =	ssub.s32 @!p1 s13, s14  }
0x17: {  	s14 =	sshrl.u32 @!p1 s15, $0xD;
	s13 =	sadd.s32 @!p1 $0xFFF0BE40, s13  }
0x18: {  	s15 =	sxor.u32 @!p1 $0xFFFFFFFF, s10;
	s14 =	smul.u32 @!p1 $0xF4240, s14;
	s16 =	sshll.u32 @!p1 s13, $0x7  }
0x19: {  	s15 =	sshll.u32 @!p1 s15, $0xC;
	p2 =	sgt.s32 @!p1 s13, $0x7F;
	s13 =	ssub.s32 @!p1 $0x4000, s16  }
0x1a: {  	s12 =	ssub.s32 @!p1 s12, s14;
	p2 =	por !p2, p1;
	s14 =	sand.u32 @!p1 $0x1000, s15  }
0x1b: {  	s15 =	simm.s32 @!p1 $0x20;
	s13 =	sshrl.u32 @!p1 s13, $0x2;
	s12 =	sshll.u32 @!p1 s12, $0x4  }
0x1c: {  	s16 =	simm.s32 @!p1 $0x80;
	s13 =	simm.s32 @!p2 $0x0;
	s12 =	sadd.s32 @!p1 s4, s12  }
0x1d: {  	[tilespmem:s14], [sflag:$0x1] =	stream.strided.gather @!p1 [hbm4b:s12+s15], s13, s16, s15, $0x38;
	[tilespmem:$0x4040] =	vst v63  }
0x1e: {  	p1 =	seq.s32 s10, $0x0  }
0x1f: {  	p2 =	sge.u32 @!p1 s10, s7  }
0x20: {  	p1 =	por p1, p2  }
.Ltmp2:
0x21: {  	_ = 	snop;
	(pc) =	sbr.rel @p1 .LBB1_5-.Ltmp2, $1  }
0x22: {  	_ =	sdelay $0x3  }
0x23: {  	p1 =	sgt.s32 s11, $0xF41C0;
	s12 =	smov.u32 s11;
	s13 =	sshra.s32 s11, $0x1F  }
0x24: {  	s12 =	simm.s32 @!p1 $0xF41C0;
	s13 =	sand.u32 s13, s11  }
0x25: {  	s12 =	ssub.s32 s12, s13  }
0x26: {  	s12 =	sadd.s32 $0xFFF0BE40, s12  }
0x27: {  	s28 =	sshll.u32 s12, $0x7  }
0x28: {  	s13 =	ssub.s32 $0x4000, s28  }
0x29: {  	p1 =	sgt.s32 s12, $0x7F;
	s12 =	sshrl.u32 s13, $0x2  }
0x2a: {  	s13 =	simm.s32 $0x1;
	s12 =	simm.s32 @p1 $0x0  }
0x2b: {  	s13 =	simm.s32 @!p0 $0x0;
	_ =	swait.ge [sflag:s5], s12  }
0x2c: {  	s14 =	sshll.u32 s13, $0xC;
	s12 =	ssub.s32 $0x0, s12;
	[sflag:s5] =	ssyncset.done $0x0  }
0x2d: {  	s16 =	sor.u32 $0x10, s14;
	[sflag:s5] =	ssyncadd.s32 s12  }
0x2e: {  	s29 =	smul.u32 $0x4080, s13;
	v1 =	vld [tilespmem:s16+$0x0]  }
0x2f: {  	s30 =	sand.u32 $0x1, s10;
	v0 =	vld [tilespmem:s16+$0xFFFFFFF0]  }
0x30: {  	s13 =	smul.u32 $0x4080, s30;
	s12 =	sshrl.u32 s29, $0x2  }
0x31: {  	s14 =	sor.u32 $0x2000, s12  }
0x32: {  	s31 =	sshrl.u32 s13, $0x2;
	s13 =	sadd.s32 $0x0, s14  }
0x33: {  	s15 =	simm.s32 $0x4;
	s12 =	sor.u32 $0x2000, s31;
	s16 =	sadd.s32 $0x20, s16;
	[tilespmem:s13+$0x810 ss:$0x81] =	vst.msk $0xffff, v1  }
.LBB1_3:
0x34: {  	v1 =	vld [tilespmem:s16+$0x0];
	p1 =	sne.s32 s15, $0x1FC;
	[tilespmem:s13+$0x0 ss:$0x81] =	vst.msk $0xffff, v0;
	s13 =	smov.u32 s15;
	s15 =	sadd.s32 $0x4, s15  }
.Ltmp3:
0x35: {  	v0 =	vld [tilespmem:s16+$0xFFFFFFF0];
	(pc) =	sbr.rel @p1 .LBB1_3-.Ltmp3, $4  }
0x36: {  	_ = 	snop  }
0x37: {  	s13 =	sshra.s32 s13, $0x2  }
0x38: {  	s13 =	sadd.s32 s13, s14  }
0x39: {  	s16 =	sadd.s32 $0x20, s16;
	[tilespmem:s13+$0x810 ss:$0x81] =	vst.msk $0xffff, v1  }
0x3a: {  	s14 =	sshll.u32 s11, $0x3  }
0x3b: {  	s30 =	sand.u32 $0x7F, s11;
	s14 =	sand.u32 $0xFFFFFC00, s14  }
0x3c: {  	s11 =	sor.u32 s30, s14  }
0x3d: {  	s15 =	smulhi.u32 $0x218D6287, s11;
	_ =	sdelay $0x1  }
0x3e: {  	s14 =	smulhi.u32 $0x218D6287, s14;
	s15 =	sshrl.u32 s15, $0x11  }
0x3f: {  	s15 =	smul.u32 $0xF4280, s15  }
0x40: {  	s14 =	sshrl.u32 s14, $0x11  }
.Ltmp4:
0x41: {  	s14 =	sand.u32 $0x1F, s14;
	s11 =	ssub.s32 s11, s15;
	(pc) =	sbr.rel .LBB1_5-.Ltmp4, $4  }
0x42: {  	s14 =	smul.u32 $0x1E850, s14;
	s15 =	sshrl.u32 s11, $0x3;
	s11 =	sand.u32 $0x7, s11  }
0x43: {  	s15 =	sadd.s32 s2, s15;
	s11 =	sshll.u32 s11, $0x12  }
0x44: {  	[tilespmem:s13+$0x0 ss:$0x81] =	vst.msk $0xffff, v0;
	s31 =	sadd.s32 s14, s15;
	s11 =	sor.u32 $0x400, s11  }
0x45: {  	[hbm4b:s31+s11] =	stream.strided.scatter [tilespmem:s12], [sflag:$0x2], $0x1000, s8, s11, $0x20;
	[tilespmem:$0x4040] =	vst v63  }
.LBB1_6:
0x46: {  	_ =	sfence.sel $0x180000  }
0x47: {  	s2 =	simm.s32 $0x1;
	[bflag:$0x0] =	sbarrier.arrive $0xFFFF  }
0x48: {  	s31 =	simm.s32 $0x2;
	[sflag:s2] =	ssyncpa.u1 $0x1  }
0x49: {  	[sflag:s31] =	ssyncpa.u1 $0x1  }
0x4a: {  	p0 =	sne.s32 s1, $0x0;
	_ =	strace $0x9000004A  }
0x4b: {  	s0 =	sadd.s32 @!p0 $0x100000, s0;
	[bflag:$0x2] =	sbarrier.arrive $0xFFFF  }
0x4c: {  	[sflag:s0] =	ssyncadd.tile.s32 @!p0 $0x1;
	_ =	shalt  }
.Lfunc_end1:
_tile_overlayer_lowered:
.L_overlay_start_2:
0x4d: {  	(tag) =	ssettag $0x2  }
0x4e: {  	s0 =	rddreg [dreg:$0x0];
	s2 =	stileid.u32  }
0x4f: {  	s1 =	rddreg [dreg:$0x1];
	p0 =	sne.s32 s2, $0x0  }
0x50: {  	s3 =	rddreg [dreg:$0x2];
	[bflag:$0x3] =	sbarrier.arrive $0xFFFF;
	s2 =	simm.s32 @!p0 $0x1C01  }
0x51: {  	[timem:s3], [sflag:s2] =	dma.local @!p0 [hbm:s0], s1  }
0x52: {  	s0 =	simm.s32 @!p0 $0x1  }
0x53: {  	_ =	swait.ge @!p0 [sflag:s0], s1  }
0x54: {  	s1 =	ssub.s32 @!p0 $0x0, s1;
	[sflag:s0] =	ssyncset.done @!p0 $0x0  }
0x55: {  	[sflag:s0] =	ssyncadd.s32 @!p0 s1  }
0x56: {  	[bflag:$0x3] =	sbarrier.arrive $0xFFFF  }
0x57: {  	_ =	shalt  }

</sc_bundles>
